<compile_context>
chip_gen: v7x
topology: tpu7x:2x2x1
jax: 0.10.2.dev20260603
libtpu: 0.0.44.dev20260713+nightly
codegen_flags: <defaults>
</compile_context>

<pallas_src>
import dataclasses
import functools

import jax
import jax.numpy as jnp
from jax import lax
from jax.experimental import pallas as pl
from jax.experimental.pallas import tpu as pltpu
from jax.experimental.pallas import tpu_sc as plsc

NL = 20
ROWS, COLS = 1024, 1024
NPIX = ROWS * COLS
NC, NS, L = 2, 16, 16
NW = NC * NS
ROWS_W = ROWS // NW
VPR = COLS // L
NBINS = NL * NL
HC = NL * L
CH_ROWS = 8
NCHUNK = ROWS_W // CH_ROWS


def _hist_sc(gt, pred):
    mesh = plsc.VectorSubcoreMesh(core_axis_name="c", subcore_axis_name="s")
    cp = pltpu.CompilerParams()
    if "needs_layout_passes" in pltpu.CompilerParams.__dataclass_fields__:
        cp = dataclasses.replace(cp, needs_layout_passes=False)

    @functools.partial(
        pl.kernel,
        out_type=jax.ShapeDtypeStruct((NW, NL, NL), jnp.int32),
        mesh=mesh,
        compiler_params=cp,
        scratch_types=[
            pltpu.VMEM((2, CH_ROWS, COLS), jnp.int32),
            pltpu.VMEM((2, CH_ROWS, COLS), jnp.int32),
            pltpu.VMEM((NL, HC), jnp.int32),
            pltpu.VMEM((NL, NL), jnp.int32),
            pltpu.SemaphoreType.DMA,
            pltpu.SemaphoreType.DMA,
            pltpu.SemaphoreType.DMA,
            pltpu.SemaphoreType.DMA,
        ],
    )
    def hist_kernel(gt_hbm, pred_hbm, out_hbm, gt_v, pred_v, hist_v, part_v,
                    sg0, sg1, sp0, sp1):
        wid = lax.axis_index("s") * NC + lax.axis_index("c")
        base = wid * ROWS_W
        sg = (sg0, sg1)
        sp = (sp0, sp1)

        zeros = jnp.zeros((L,), jnp.int32)
        lane = lax.iota(jnp.int32, L)
        ones = jnp.ones((L,), jnp.int32)

        def start(k):
            b = k % 2
            rows = pl.ds(base + k * CH_ROWS, CH_ROWS)
            cg = pltpu.async_copy(gt_hbm.at[rows], gt_v.at[b], sg[b])
            cpv = pltpu.async_copy(pred_hbm.at[rows], pred_v.at[b], sp[b])
            return cg, cpv

        pending = start(0)

        @pl.loop(0, NL)
        def _(g):
            @plsc.parallel_loop(0, NL, unroll=4)
            def _(c):
                hist_v[g, pl.ds(c * L, L)] = zeros

        for k in range(NCHUNK):
            b = k % 2
            for h in pending:
                h.wait()
            if k + 1 < NCHUNK:
                pending = start(k + 1)

            @pl.loop(0, CH_ROWS)
            def _(r):
                @plsc.parallel_loop(0, VPR, unroll=8)
                def _(c):
                    g = gt_v[b, r, pl.ds(c * L, L)]
                    p = pred_v[b, r, pl.ds(c * L, L)]
                    col = p * L + lane
                    plsc.addupdate_scatter(hist_v, [g, col], ones)

        last_lane = lane == (L - 1)

        @pl.loop(0, NL)
        def _(g):
            @plsc.parallel_loop(0, NL, unroll=4)
            def _(p):
                v = hist_v[g, pl.ds(p * L, L)]
                tot = plsc.cumsum(v)
                gidx = jnp.full((L,), g, jnp.int32)
                pidx = jnp.full((L,), p, jnp.int32)
                plsc.store_scatter(part_v, [gidx, pidx], tot,
                                   mask=last_lane)

        pltpu.sync_copy(part_v, out_hbm.at[wid])

    return hist_kernel(gt, pred)


def _sim_body(parts_ref, out_ref):
    x = parts_ref[...]
    M0 = jnp.sum(x, axis=0)
    S0 = jnp.sum(M0, axis=1, keepdims=True)
    C0 = jnp.sum(M0, axis=0, keepdims=True)
    lp = jnp.where(S0 > 0, 1, 0)

    ci = lax.broadcasted_iota(jnp.int32, (1, NL), 1)
    ri = lax.broadcasted_iota(jnp.int32, (NL, 1), 0)
    col0 = jnp.where(ci == 0, 1, 0)
    row0 = jnp.where(ri == 0, 1, 0)
    pmask = 1 - col0
    vmask = 1 - row0
    n_total = jnp.int32(NPIX)

    U = S0 + C0 - M0
    Hm1 = lp * jnp.where(2 * M0 > U, 1, 0) * pmask
    hitp = jnp.sum(Hm1, axis=0, keepdims=True)
    lhit = jnp.sum(Hm1 * ri, axis=0, keepdims=True)
    before = hitp * jnp.where(lhit < ri, 1, 0)

    m_col0 = jnp.sum(M0 * col0, axis=1, keepdims=True)
    inter0 = m_col0 + jnp.sum(M0 * before, axis=1, keepdims=True)
    c00 = jnp.sum(C0 * col0)
    c0cur = c00 + jnp.sum(C0 * before, axis=1, keepdims=True)
    U0 = S0 + c0cur - inter0
    anyp0 = jnp.where(((n_total - S0) > 0) | (inter0 > 0), 1, 0)
    active0 = lp * anyp0
    hit0 = active0 * jnp.where(2 * inter0 > U0, 1, 0)
    tp = jnp.sum(Hm1) + jnp.sum(hit0)

    actp = lp * jnp.where(M0 > 0, 1, 0) * pmask * (1 - before)
    ACT = actp + active0 * col0
    key = ri * NL + ci
    km = jnp.max(ACT * (key + 1)) - 1
    sel = jnp.where(key == km, 1, 0)
    INTM = M0 * pmask + inter0 * col0
    UM = U * pmask + U0 * col0
    inter_sel = jnp.sum(INTM * sel).astype(jnp.float32)
    union_sel = jnp.sum(UM * sel).astype(jnp.float32)
    iou = jnp.where(km >= 0, inter_sel / union_sel, jnp.float32(0.0))

    HITS = Hm1 + hit0 * col0
    rowhit = jnp.where(jnp.sum(HITS, axis=1, keepdims=True) > 0, 1, 0)
    fn = (jnp.sum(jnp.where(S0 > 0, 1, 0) * (1 - rowhit) * vmask)
          + jnp.where(jnp.sum(S0 * row0)
                      + jnp.sum(S0 * rowhit * vmask) > 0, 1, 0))
    fp = (jnp.sum(jnp.where(C0 > 0, 1, 0) * (1 - hitp) * pmask)
          + jnp.where(c00 + jnp.sum(C0 * hitp * pmask) > 0, 1, 0))

    res = iou / (tp.astype(jnp.float32)
                 + jnp.float32(0.5) * (fn + fp).astype(jnp.float32))
    out_ref[...] = jnp.full((1, 1), res, jnp.float32)


def _sim_tc(parts):
    return pl.pallas_call(
        _sim_body,
        out_shape=jax.ShapeDtypeStruct((1, 1), jnp.float32),
    )(parts)


def kernel(gt, pred):
    gt = jnp.asarray(gt, jnp.int32)
    pred = jnp.asarray(pred, jnp.int32)
    parts = _hist_sc(gt, pred)
    return _sim_tc(parts)[0, 0]

# --- scband reference (transcript-rebuilt; emitter-appended) ---
"""Pipeline reference for scband-pantopic-quality-90417651516102 (READ-ONLY COPY).

The authoritative reference and input builder live on the scoring server;
editing this copy changes nothing except your own understanding.
"""

import jax, jax.numpy as jnp
from jax import lax
import numpy as np


def setup_inputs(seed: int = 0) -> dict:
    key = jax.random.key(seed)
    k1, k2 = jax.random.split(key)
    gt = jax.random.randint(k1, (1024, 1024), 0, 20, dtype=jnp.int64 if jax.config.jax_enable_x64 else jnp.int32).astype(jnp.int32)
    pred = jax.random.randint(k2, (1024, 1024), 0, 20, dtype=jnp.int64 if jax.config.jax_enable_x64 else jnp.int32).astype(jnp.int32)
    return {"gt": gt, "pred": pred}


def reference(gt, pred):
    # Faithful translation of PantopicQuality.forward.
    # Values always lie in [0, 20) and mutations only write 0, so unique(x)
    # equals the sorted present members of the static range 0..19; presence
    # flags are evaluated exactly where the original materialized unique().
    gt = jnp.asarray(gt)
    pred = jnp.asarray(pred)
    NUM_LABELS = 20
    gt0 = gt  # labels materialized BEFORE any mutation, matching torch
    tp = jnp.asarray(0, dtype=jnp.int32)
    global_iou = jnp.asarray(0.0, dtype=jnp.float32)
    iou = jnp.asarray(0.0, dtype=jnp.float32)  # always overwritten: unique sets are non-empty

    def outer_body(label, carry):
        gt, pred, tp, iou, global_iou = carry
        label_present = jnp.any(gt0 == label)
        gt_segment = gt == label  # computed against (possibly mutated) gt, matching torch
        # pred * gt_segment: int * bool mask; unique materialized before inner-loop mutations
        pred_prod = pred * gt_segment

        def inner_body(pred_label, inner_carry):
            gt, pred, tp, iou, global_iou = inner_carry
            active = label_present & jnp.any(pred_prod == pred_label)
            pred_segment = pred == pred_label
            # bool*bool -> logical and ; bool+bool -> logical or (torch semantics)
            inter = jnp.sum(gt_segment & pred_segment)
            union = jnp.sum(gt_segment | pred_segment)
            iou_new = (inter / union).astype(jnp.float32)
            iou = jnp.where(active, iou_new, iou)
            hit = active & (iou_new > 0.5)
            # in-place torch writes gt[gt_segment]=0, pred[pred_segment]=0
            gt = jnp.where(hit & gt_segment, 0, gt)
            pred = jnp.where(hit & pred_segment, 0, pred)
            tp = tp + hit.astype(jnp.int32)
            global_iou = global_iou + jnp.where(hit, iou_new, jnp.float32(0.0))
            return (gt, pred, tp, iou, global_iou)

        return lax.fori_loop(0, NUM_LABELS, inner_body,
                             (gt, pred, tp, iou, global_iou))

    gt, pred, tp, iou, global_iou = lax.fori_loop(
        0, NUM_LABELS, outer_body, (gt, pred, tp, iou, global_iou))

    vals = jnp.arange(NUM_LABELS, dtype=gt.dtype)
    fn = jnp.sum(jax.vmap(lambda v: jnp.any(gt == v))(vals)).astype(jnp.int32)
    fp = jnp.sum(jax.vmap(lambda v: jnp.any(pred == v))(vals)).astype(jnp.int32)
    # NOTE: the original returns `iou` (last inner-loop value), not global_iou -- kept faithfully
    return iou / (tp + 0.5 * (fn + fp))

if __name__ == "__main__":
    import jax
    _d = setup_inputs()
    print(jax.jit(kernel)(*tuple(_d.values())))

</pallas_src>

<mosaic_0001>
#map = affine_map<(d0, d1) -> (0, 0)>
#map1 = affine_map<(d0, d1) -> (0, 0, 0)>
module attributes {stable_mosaic.version = 14 : i64} {
  func.func @hist_kernel(%arg0: i32, %arg1: i32, %arg2: memref<1024x1024xi32, #tpu.memory_space<hbm>>, %arg3: memref<1024x1024xi32, #tpu.memory_space<hbm>>, %arg4: memref<32x20x20xi32, #tpu.memory_space<hbm>>, %arg5: memref<2x8x1024xi32, #tpu.memory_space<vmem>>, %arg6: memref<2x8x1024xi32, #tpu.memory_space<vmem>>, %arg7: memref<20x320xi32, #tpu.memory_space<vmem>>, %arg8: memref<20x20xi32, #tpu.memory_space<vmem>>, %arg9: memref<!tpu.dma_semaphore, #tpu.memory_space<semaphore_mem>>, %arg10: memref<!tpu.dma_semaphore, #tpu.memory_space<semaphore_mem>>, %arg11: memref<!tpu.dma_semaphore, #tpu.memory_space<semaphore_mem>>, %arg12: memref<!tpu.dma_semaphore, #tpu.memory_space<semaphore_mem>>) attributes {dimension_semantics = [#tpu.dimension_semantics<core_parallel>, #tpu.dimension_semantics<subcore_parallel>], iteration_bounds = array<i64: 2, 16>, scalar_prefetch = 0 : i64, scratch_operands = 8 : i64, tpu.core_type = #tpu.core_type<sc_vector_subcore>, window_params = [{transform_indices = #map}, {transform_indices = #map}, {transform_indices = #map1}]} {
    %mul3A = arith.constant 2 : i32
    %mul3A_0 = arith.muli %arg1, %mul3A : i32
    %add3A = arith.addi %mul3A_0, %arg0 : i32
    %mul3A_1 = arith.constant 32 : i32
    %mul3A_2 = arith.muli %add3A, %mul3A_1 : i32
    %broadcast_in_dim3A = arith.constant 0 : i32
    %broadcast_in_dim3A_3 = vector.broadcast %broadcast_in_dim3A : i32 to vector<16xi32>
    %iota3A = tpu.iota {dimensions = array<i32: 0>} : vector<16xi32>
    %broadcast_in_dim3A_4 = arith.constant 1 : i32
    %broadcast_in_dim3A_5 = vector.broadcast %broadcast_in_dim3A_4 : i32 to vector<16xi32>
    %add3A_6 = arith.constant 0 : i32
    %add3A_7 = arith.addi %mul3A_2, %add3A_6 : i32
    %dma_start3A = arith.constant 0 : i32
    %dma_start3A_8 = arith.constant 0 : i32
    %dma_start3A_9 = arith.constant 0 : i32
    %dma_start3A_10 = tpu.memref_slice %arg5[%dma_start3A, %dma_start3A_8, %dma_start3A_9] : memref<2x8x1024xi32, #tpu.memory_space<vmem>> -> memref<1x8x1024xi32, #tpu.memory_space<vmem>>
    %dma_start3A_11 = tpu.memref_squeeze %dma_start3A_10 : memref<1x8x1024xi32, #tpu.memory_space<vmem>> -> memref<8x1024xi32, #tpu.memory_space<vmem>>
    %dma_start3A_12 = arith.constant 0 : i32
    %dma_start3A_13 = tpu.memref_slice %arg2[%add3A_7, %dma_start3A_12] : memref<1024x1024xi32, #tpu.memory_space<hbm>> -> memref<8x1024xi32, #tpu.memory_space<hbm>>
    %dma_start3A_14 = arith.constant 0 : i32
    %dma_start3A_15 = arith.constant 0 : i32
    %dma_start3A_16 = tpu.memref_slice %arg5[%dma_start3A, %dma_start3A_14, %dma_start3A_15] : memref<2x8x1024xi32, #tpu.memory_space<vmem>> -> memref<1x8x1024xi32, #tpu.memory_space<vmem>>
    %dma_start3A_17 = tpu.memref_squeeze %dma_start3A_16 : memref<1x8x1024xi32, #tpu.memory_space<vmem>> -> memref<8x1024xi32, #tpu.memory_space<vmem>>
    %dma_start3A_18 = arith.constant 0 : i32
    %dma_start3A_19 = tpu.memref_slice %arg2[%add3A_7, %dma_start3A_18] : memref<1024x1024xi32, #tpu.memory_space<hbm>> -> memref<8x1024xi32, #tpu.memory_space<hbm>>
    tpu.enqueue_dma source(%dma_start3A_19 : memref<8x1024xi32, #tpu.memory_space<hbm>>) target(%dma_start3A_17 : memref<8x1024xi32, #tpu.memory_space<vmem>>) target_semaphore(%arg9 : memref<!tpu.dma_semaphore, #tpu.memory_space<semaphore_mem>>)
    %dma_start3A_20 = arith.constant 0 : i32
    %dma_start3A_21 = arith.constant 0 : i32
    %dma_start3A_22 = arith.constant 0 : i32
    %dma_start3A_23 = tpu.memref_slice %arg6[%dma_start3A_20, %dma_start3A_21, %dma_start3A_22] : memref<2x8x1024xi32, #tpu.memory_space<vmem>> -> memref<1x8x1024xi32, #tpu.memory_space<vmem>>
    %dma_start3A_24 = tpu.memref_squeeze %dma_start3A_23 : memref<1x8x1024xi32, #tpu.memory_space<vmem>> -> memref<8x1024xi32, #tpu.memory_space<vmem>>
    %dma_start3A_25 = arith.constant 0 : i32
    %dma_start3A_26 = tpu.memref_slice %arg3[%add3A_7, %dma_start3A_25] : memref<1024x1024xi32, #tpu.memory_space<hbm>> -> memref<8x1024xi32, #tpu.memory_space<hbm>>
    %dma_start3A_27 = arith.constant 0 : i32
    %dma_start3A_28 = arith.constant 0 : i32
    %dma_start3A_29 = tpu.memref_slice %arg6[%dma_start3A_20, %dma_start3A_27, %dma_start3A_28] : memref<2x8x1024xi32, #tpu.memory_space<vmem>> -> memref<1x8x1024xi32, #tpu.memory_space<vmem>>
    %dma_start3A_30 = tpu.memref_squeeze %dma_start3A_29 : memref<1x8x1024xi32, #tpu.memory_space<vmem>> -> memref<8x1024xi32, #tpu.memory_space<vmem>>
    %dma_start3A_31 = arith.constant 0 : i32
    %dma_start3A_32 = tpu.memref_slice %arg3[%add3A_7, %dma_start3A_31] : memref<1024x1024xi32, #tpu.memory_space<hbm>> -> memref<8x1024xi32, #tpu.memory_space<hbm>>
    tpu.enqueue_dma source(%dma_start3A_32 : memref<8x1024xi32, #tpu.memory_space<hbm>>) target(%dma_start3A_30 : memref<8x1024xi32, #tpu.memory_space<vmem>>) target_semaphore(%arg11 : memref<!tpu.dma_semaphore, #tpu.memory_space<semaphore_mem>>)
    %scan3A = arith.constant 0 : i32
    %scan3A_33 = arith.constant 20 : i32
    %scan3A_34 = arith.addi %scan3A, %scan3A_33 : i32
    %scan3A_35 = arith.constant 1 : i32
    scf.for %scan3A_251 = %scan3A to %scan3A_34 step %scan3A_35  : i32 {
      %mul3A_252 = arith.constant 1 : i32
      %mul3A_253 = arith.muli %scan3A_251, %mul3A_252 : i32
      %add3A_254 = arith.constant 0 : i32
      %add3A_255 = arith.addi %add3A_254, %mul3A_253 : i32
      %parallel_loop3A = arith.constant 0 : i32
      %parallel_loop3A_256 = arith.constant 20 : i32
      %parallel_loop3A_257 = arith.constant 1 : i32
      scf.for %parallel_loop3A_258 = %parallel_loop3A to %parallel_loop3A_256 step %parallel_loop3A_257  : i32 {
        %parallel_loop3A_259 = arith.constant 16 : i32
        %parallel_loop3A_260 = arith.muli %parallel_loop3A_258, %parallel_loop3A_259 : i32
        %parallel_loop3A_261 = arith.index_cast %add3A_255 : i32 to index
        %parallel_loop3A_262 = arith.index_cast %parallel_loop3A_260 : i32 to index
        %parallel_loop3A_263 = tpu.vector_load %arg7[%parallel_loop3A_261, %parallel_loop3A_262] {strides = array<i32>} : memref<20x320xi32, #tpu.memory_space<vmem>>, vector<16xi32>,
        tpu.vector_store %arg7[%parallel_loop3A_261, %parallel_loop3A_262], %broadcast_in_dim3A_3 {strides = array<i32>} : memref<20x320xi32, #tpu.memory_space<vmem>>, vector<16xi32>,
      } {sc.loop_unroll_factor = 4 : i64, sc.parallel_access}
    }
    %scan3A_36 = arith.constant 20 : i32
    %dma_wait3A = arith.constant 0 : i32
    %dma_wait3A_37 = arith.constant 0 : i32
    %dma_wait3A_38 = arith.constant 0 : i32
    %dma_wait3A_39 = tpu.memref_slice %arg5[%dma_wait3A, %dma_wait3A_37, %dma_wait3A_38] : memref<2x8x1024xi32, #tpu.memory_space<vmem>> -> memref<1x8x1024xi32, #tpu.memory_space<vmem>>
    %dma_wait3A_40 = tpu.memref_squeeze %dma_wait3A_39 : memref<1x8x1024xi32, #tpu.memory_space<vmem>> -> memref<8x1024xi32, #tpu.memory_space<vmem>>
    %dma_wait3A_41 = arith.constant 0 : i32
    %dma_wait3A_42 = tpu.memref_slice %arg2[%add3A_7, %dma_wait3A_41] : memref<1024x1024xi32, #tpu.memory_space<hbm>> -> memref<8x1024xi32, #tpu.memory_space<hbm>>
    %dma_wait3A_43 = arith.constant 0 : i32
    %dma_wait3A_44 = arith.constant 0 : i32
    %dma_wait3A_45 = tpu.memref_slice %arg5[%dma_wait3A, %dma_wait3A_43, %dma_wait3A_44] : memref<2x8x1024xi32, #tpu.memory_space<vmem>> -> memref<1x8x1024xi32, #tpu.memory_space<vmem>>
    %dma_wait3A_46 = tpu.memref_squeeze %dma_wait3A_45 : memref<1x8x1024xi32, #tpu.memory_space<vmem>> -> memref<8x1024xi32, #tpu.memory_space<vmem>>
    %dma_wait3A_47 = arith.constant 0 : i32
    %dma_wait3A_48 = tpu.memref_slice %arg2[%add3A_7, %dma_wait3A_47] : memref<1024x1024xi32, #tpu.memory_space<hbm>> -> memref<8x1024xi32, #tpu.memory_space<hbm>>
    tpu.wait_dma2 semaphore(%arg9 : memref<!tpu.dma_semaphore, #tpu.memory_space<semaphore_mem>>) src(%dma_wait3A_48 : memref<8x1024xi32, #tpu.memory_space<hbm>>) dst(%dma_wait3A_46 : memref<8x1024xi32, #tpu.memory_space<vmem>>)
    %dma_wait3A_49 = arith.constant 0 : i32
    %dma_wait3A_50 = arith.constant 0 : i32
    %dma_wait3A_51 = arith.constant 0 : i32
    %dma_wait3A_52 = tpu.memref_slice %arg6[%dma_wait3A_49, %dma_wait3A_50, %dma_wait3A_51] : memref<2x8x1024xi32, #tpu.memory_space<vmem>> -> memref<1x8x1024xi32, #tpu.memory_space<vmem>>
    %dma_wait3A_53 = tpu.memref_squeeze %dma_wait3A_52 : memref<1x8x1024xi32, #tpu.memory_space<vmem>> -> memref<8x1024xi32, #tpu.memory_space<vmem>>
    %dma_wait3A_54 = arith.constant 0 : i32
    %dma_wait3A_55 = tpu.memref_slice %arg3[%add3A_7, %dma_wait3A_54] : memref<1024x1024xi32, #tpu.memory_space<hbm>> -> memref<8x1024xi32, #tpu.memory_space<hbm>>
    %dma_wait3A_56 = arith.constant 0 : i32
    %dma_wait3A_57 = arith.constant 0 : i32
    %dma_wait3A_58 = tpu.memref_slice %arg6[%dma_wait3A_49, %dma_wait3A_56, %dma_wait3A_57] : memref<2x8x1024xi32, #tpu.memory_space<vmem>> -> memref<1x8x1024xi32, #tpu.memory_space<vmem>>
    %dma_wait3A_59 = tpu.memref_squeeze %dma_wait3A_58 : memref<1x8x1024xi32, #tpu.memory_space<vmem>> -> memref<8x1024xi32, #tpu.memory_space<vmem>>
    %dma_wait3A_60 = arith.constant 0 : i32
    %dma_wait3A_61 = tpu.memref_slice %arg3[%add3A_7, %dma_wait3A_60] : memref<1024x1024xi32, #tpu.memory_space<hbm>> -> memref<8x1024xi32, #tpu.memory_space<hbm>>
    tpu.wait_dma2 semaphore(%arg11 : memref<!tpu.dma_semaphore, #tpu.memory_space<semaphore_mem>>) src(%dma_wait3A_61 : memref<8x1024xi32, #tpu.memory_space<hbm>>) dst(%dma_wait3A_59 : memref<8x1024xi32, #tpu.memory_space<vmem>>)
    %add3A_62 = arith.constant 8 : i32
    %add3A_63 = arith.addi %mul3A_2, %add3A_62 : i32
    %dma_start3A_64 = arith.constant 1 : i32
    %dma_start3A_65 = arith.constant 0 : i32
    %dma_start3A_66 = arith.constant 0 : i32
    %dma_start3A_67 = tpu.memref_slice %arg5[%dma_start3A_64, %dma_start3A_65, %dma_start3A_66] : memref<2x8x1024xi32, #tpu.memory_space<vmem>> -> memref<1x8x1024xi32, #tpu.memory_space<vmem>>
    %dma_start3A_68 = tpu.memref_squeeze %dma_start3A_67 : memref<1x8x1024xi32, #tpu.memory_space<vmem>> -> memref<8x1024xi32, #tpu.memory_space<vmem>>
    %dma_start3A_69 = arith.constant 0 : i32
    %dma_start3A_70 = tpu.memref_slice %arg2[%add3A_63, %dma_start3A_69] : memref<1024x1024xi32, #tpu.memory_space<hbm>> -> memref<8x1024xi32, #tpu.memory_space<hbm>>
    %dma_start3A_71 = arith.constant 0 : i32
    %dma_start3A_72 = arith.constant 0 : i32
    %dma_start3A_73 = tpu.memref_slice %arg5[%dma_start3A_64, %dma_start3A_71, %dma_start3A_72] : memref<2x8x1024xi32, #tpu.memory_space<vmem>> -> memref<1x8x1024xi32, #tpu.memory_space<vmem>>
    %dma_start3A_74 = tpu.memref_squeeze %dma_start3A_73 : memref<1x8x1024xi32, #tpu.memory_space<vmem>> -> memref<8x1024xi32, #tpu.memory_space<vmem>>
    %dma_start3A_75 = arith.constant 0 : i32
    %dma_start3A_76 = tpu.memref_slice %arg2[%add3A_63, %dma_start3A_75] : memref<1024x1024xi32, #tpu.memory_space<hbm>> -> memref<8x1024xi32, #tpu.memory_space<hbm>>
    tpu.enqueue_dma source(%dma_start3A_76 : memref<8x1024xi32, #tpu.memory_space<hbm>>) target(%dma_start3A_74 : memref<8x1024xi32, #tpu.memory_space<vmem>>) target_semaphore(%arg10 : memref<!tpu.dma_semaphore, #tpu.memory_space<semaphore_mem>>)
    %dma_start3A_77 = arith.constant 1 : i32
    %dma_start3A_78 = arith.constant 0 : i32
    %dma_start3A_79 = arith.constant 0 : i32
    %dma_start3A_80 = tpu.memref_slice %arg6[%dma_start3A_77, %dma_start3A_78, %dma_start3A_79] : memref<2x8x1024xi32, #tpu.memory_space<vmem>> -> memref<1x8x1024xi32, #tpu.memory_space<vmem>>
    %dma_start3A_81 = tpu.memref_squeeze %dma_start3A_80 : memref<1x8x1024xi32, #tpu.memory_space<vmem>> -> memref<8x1024xi32, #tpu.memory_space<vmem>>
    %dma_start3A_82 = arith.constant 0 : i32
    %dma_start3A_83 = tpu.memref_slice %arg3[%add3A_63, %dma_start3A_82] : memref<1024x1024xi32, #tpu.memory_space<hbm>> -> memref<8x1024xi32, #tpu.memory_space<hbm>>
    %dma_start3A_84 = arith.constant 0 : i32
    %dma_start3A_85 = arith.constant 0 : i32
    %dma_start3A_86 = tpu.memref_slice %arg6[%dma_start3A_77, %dma_start3A_84, %dma_start3A_85] : memref<2x8x1024xi32, #tpu.memory_space<vmem>> -> memref<1x8x1024xi32, #tpu.memory_space<vmem>>
    %dma_start3A_87 = tpu.memref_squeeze %dma_start3A_86 : memref<1x8x1024xi32, #tpu.memory_space<vmem>> -> memref<8x1024xi32, #tpu.memory_space<vmem>>
    %dma_start3A_88 = arith.constant 0 : i32
    %dma_start3A_89 = tpu.memref_slice %arg3[%add3A_63, %dma_start3A_88] : memref<1024x1024xi32, #tpu.memory_space<hbm>> -> memref<8x1024xi32, #tpu.memory_space<hbm>>
    tpu.enqueue_dma source(%dma_start3A_89 : memref<8x1024xi32, #tpu.memory_space<hbm>>) target(%dma_start3A_87 : memref<8x1024xi32, #tpu.memory_space<vmem>>) target_semaphore(%arg12 : memref<!tpu.dma_semaphore, #tpu.memory_space<semaphore_mem>>)
    %scan3A_90 = arith.constant 0 : i32
    %scan3A_91 = arith.constant 8 : i32
    %scan3A_92 = arith.addi %scan3A_90, %scan3A_91 : i32
    %scan3A_93 = arith.constant 1 : i32
    scf.for %scan3A_251 = %scan3A_90 to %scan3A_92 step %scan3A_93  : i32 {
      %mul3A_252 = arith.constant 1 : i32
      %mul3A_253 = arith.muli %scan3A_251, %mul3A_252 : i32
      %add3A_254 = arith.constant 0 : i32
      %add3A_255 = arith.addi %add3A_254, %mul3A_253 : i32
      %parallel_loop3A = arith.constant 0 : i32
      %parallel_loop3A_256 = arith.constant 64 : i32
      %parallel_loop3A_257 = arith.constant 1 : i32
      scf.for %parallel_loop3A_258 = %parallel_loop3A to %parallel_loop3A_256 step %parallel_loop3A_257  : i32 {
        %parallel_loop3A_259 = arith.constant 16 : i32
        %parallel_loop3A_260 = arith.muli %parallel_loop3A_258, %parallel_loop3A_259 : i32
        %parallel_loop3A_261 = arith.constant 0 : i32
        %parallel_loop3A_262 = arith.index_cast %parallel_loop3A_261 : i32 to index
        %parallel_loop3A_263 = arith.index_cast %add3A_255 : i32 to index
        %parallel_loop3A_264 = arith.index_cast %parallel_loop3A_260 : i32 to index
        %parallel_loop3A_265 = tpu.vector_load %arg5[%parallel_loop3A_262, %parallel_loop3A_263, %parallel_loop3A_264] {strides = array<i32>} : memref<2x8x1024xi32, #tpu.memory_space<vmem>>, vector<16xi32>,
        %parallel_loop3A_266 = arith.constant 16 : i32
        %parallel_loop3A_267 = arith.muli %parallel_loop3A_258, %parallel_loop3A_266 : i32
        %parallel_loop3A_268 = arith.constant 0 : i32
        %parallel_loop3A_269 = arith.index_cast %parallel_loop3A_268 : i32 to index
        %parallel_loop3A_270 = arith.index_cast %add3A_255 : i32 to index
        %parallel_loop3A_271 = arith.index_cast %parallel_loop3A_267 : i32 to index
        %parallel_loop3A_272 = tpu.vector_load %arg6[%parallel_loop3A_269, %parallel_loop3A_270, %parallel_loop3A_271] {strides = array<i32>} : memref<2x8x1024xi32, #tpu.memory_space<vmem>>, vector<16xi32>,
        %parallel_loop3A_273 = arith.constant 16 : i32
        %parallel_loop3A_274 = vector.broadcast %parallel_loop3A_273 : i32 to vector<16xi32>
        %parallel_loop3A_275 = arith.muli %parallel_loop3A_272, %parallel_loop3A_274 : vector<16xi32>
        %parallel_loop3A_276 = arith.addi %parallel_loop3A_275, %iota3A : vector<16xi32>
        tpu.vector_store_idx %arg7[%parallel_loop3A_265, %parallel_loop3A_276], %broadcast_in_dim3A_5 {add = true} : memref<20x320xi32, #tpu.memory_space<vmem>>[vector<16xi32>, vector<16xi32>], vector<16xi32>,
      } {sc.loop_unroll_factor = 8 : i64, sc.parallel_access}
    }
    %scan3A_94 = arith.constant 8 : i32
    %dma_wait3A_95 = arith.constant 1 : i32
    %dma_wait3A_96 = arith.constant 0 : i32
    %dma_wait3A_97 = arith.constant 0 : i32
    %dma_wait3A_98 = tpu.memref_slice %arg5[%dma_wait3A_95, %dma_wait3A_96, %dma_wait3A_97] : memref<2x8x1024xi32, #tpu.memory_space<vmem>> -> memref<1x8x1024xi32, #tpu.memory_space<vmem>>
    %dma_wait3A_99 = tpu.memref_squeeze %dma_wait3A_98 : memref<1x8x1024xi32, #tpu.memory_space<vmem>> -> memref<8x1024xi32, #tpu.memory_space<vmem>>
    %dma_wait3A_100 = arith.constant 0 : i32
    %dma_wait3A_101 = tpu.memref_slice %arg2[%add3A_63, %dma_wait3A_100] : memref<1024x1024xi32, #tpu.memory_space<hbm>> -> memref<8x1024xi32, #tpu.memory_space<hbm>>
    %dma_wait3A_102 = arith.constant 0 : i32
    %dma_wait3A_103 = arith.constant 0 : i32
    %dma_wait3A_104 = tpu.memref_slice %arg5[%dma_wait3A_95, %dma_wait3A_102, %dma_wait3A_103] : memref<2x8x1024xi32, #tpu.memory_space<vmem>> -> memref<1x8x1024xi32, #tpu.memory_space<vmem>>
    %dma_wait3A_105 = tpu.memref_squeeze %dma_wait3A_104 : memref<1x8x1024xi32, #tpu.memory_space<vmem>> -> memref<8x1024xi32, #tpu.memory_space<vmem>>
    %dma_wait3A_106 = arith.constant 0 : i32
    %dma_wait3A_107 = tpu.memref_slice %arg2[%add3A_63, %dma_wait3A_106] : memref<1024x1024xi32, #tpu.memory_space<hbm>> -> memref<8x1024xi32, #tpu.memory_space<hbm>>
    tpu.wait_dma2 semaphore(%arg10 : memref<!tpu.dma_semaphore, #tpu.memory_space<semaphore_mem>>) src(%dma_wait3A_107 : memref<8x1024xi32, #tpu.memory_space<hbm>>) dst(%dma_wait3A_105 : memref<8x1024xi32, #tpu.memory_space<vmem>>)
    %dma_wait3A_108 = arith.constant 1 : i32
    %dma_wait3A_109 = arith.constant 0 : i32
    %dma_wait3A_110 = arith.constant 0 : i32
    %dma_wait3A_111 = tpu.memref_slice %arg6[%dma_wait3A_108, %dma_wait3A_109, %dma_wait3A_110] : memref<2x8x1024xi32, #tpu.memory_space<vmem>> -> memref<1x8x1024xi32, #tpu.memory_space<vmem>>
    %dma_wait3A_112 = tpu.memref_squeeze %dma_wait3A_111 : memref<1x8x1024xi32, #tpu.memory_space<vmem>> -> memref<8x1024xi32, #tpu.memory_space<vmem>>
    %dma_wait3A_113 = arith.constant 0 : i32
    %dma_wait3A_114 = tpu.memref_slice %arg3[%add3A_63, %dma_wait3A_113] : memref<1024x1024xi32, #tpu.memory_space<hbm>> -> memref<8x1024xi32, #tpu.memory_space<hbm>>
    %dma_wait3A_115 = arith.constant 0 : i32
    %dma_wait3A_116 = arith.constant 0 : i32
    %dma_wait3A_117 = tpu.memref_slice %arg6[%dma_wait3A_108, %dma_wait3A_115, %dma_wait3A_116] : memref<2x8x1024xi32, #tpu.memory_space<vmem>> -> memref<1x8x1024xi32, #tpu.memory_space<vmem>>
    %dma_wait3A_118 = tpu.memref_squeeze %dma_wait3A_117 : memref<1x8x1024xi32, #tpu.memory_space<vmem>> -> memref<8x1024xi32, #tpu.memory_space<vmem>>
    %dma_wait3A_119 = arith.constant 0 : i32
    %dma_wait3A_120 = tpu.memref_slice %arg3[%add3A_63, %dma_wait3A_119] : memref<1024x1024xi32, #tpu.memory_space<hbm>> -> memref<8x1024xi32, #tpu.memory_space<hbm>>
    tpu.wait_dma2 semaphore(%arg12 : memref<!tpu.dma_semaphore, #tpu.memory_space<semaphore_mem>>) src(%dma_wait3A_120 : memref<8x1024xi32, #tpu.memory_space<hbm>>) dst(%dma_wait3A_118 : memref<8x1024xi32, #tpu.memory_space<vmem>>)
    %add3A_121 = arith.constant 16 : i32
    %add3A_122 = arith.addi %mul3A_2, %add3A_121 : i32
    %dma_start3A_123 = arith.constant 0 : i32
    %dma_start3A_124 = arith.constant 0 : i32
    %dma_start3A_125 = arith.constant 0 : i32
    %dma_start3A_126 = tpu.memref_slice %arg5[%dma_start3A_123, %dma_start3A_124, %dma_start3A_125] : memref<2x8x1024xi32, #tpu.memory_space<vmem>> -> memref<1x8x1024xi32, #tpu.memory_space<vmem>>
    %dma_start3A_127 = tpu.memref_squeeze %dma_start3A_126 : memref<1x8x1024xi32, #tpu.memory_space<vmem>> -> memref<8x1024xi32, #tpu.memory_space<vmem>>
    %dma_start3A_128 = arith.constant 0 : i32
    %dma_start3A_129 = tpu.memref_slice %arg2[%add3A_122, %dma_start3A_128] : memref<1024x1024xi32, #tpu.memory_space<hbm>> -> memref<8x1024xi32, #tpu.memory_space<hbm>>
    %dma_start3A_130 = arith.constant 0 : i32
    %dma_start3A_131 = arith.constant 0 : i32
    %dma_start3A_132 = tpu.memref_slice %arg5[%dma_start3A_123, %dma_start3A_130, %dma_start3A_131] : memref<2x8x1024xi32, #tpu.memory_space<vmem>> -> memref<1x8x1024xi32, #tpu.memory_space<vmem>>
    %dma_start3A_133 = tpu.memref_squeeze %dma_start3A_132 : memref<1x8x1024xi32, #tpu.memory_space<vmem>> -> memref<8x1024xi32, #tpu.memory_space<vmem>>
    %dma_start3A_134 = arith.constant 0 : i32
    %dma_start3A_135 = tpu.memref_slice %arg2[%add3A_122, %dma_start3A_134] : memref<1024x1024xi32, #tpu.memory_space<hbm>> -> memref<8x1024xi32, #tpu.memory_space<hbm>>
    tpu.enqueue_dma source(%dma_start3A_135 : memref<8x1024xi32, #tpu.memory_space<hbm>>) target(%dma_start3A_133 : memref<8x1024xi32, #tpu.memory_space<vmem>>) target_semaphore(%arg9 : memref<!tpu.dma_semaphore, #tpu.memory_space<semaphore_mem>>)
    %dma_start3A_136 = arith.constant 0 : i32
    %dma_start3A_137 = arith.constant 0 : i32
    %dma_start3A_138 = arith.constant 0 : i32
    %dma_start3A_139 = tpu.memref_slice %arg6[%dma_start3A_136, %dma_start3A_137, %dma_start3A_138] : memref<2x8x1024xi32, #tpu.memory_space<vmem>> -> memref<1x8x1024xi32, #tpu.memory_space<vmem>>
    %dma_start3A_140 = tpu.memref_squeeze %dma_start3A_139 : memref<1x8x1024xi32, #tpu.memory_space<vmem>> -> memref<8x1024xi32, #tpu.memory_space<vmem>>
    %dma_start3A_141 = arith.constant 0 : i32
    %dma_start3A_142 = tpu.memref_slice %arg3[%add3A_122, %dma_start3A_141] : memref<1024x1024xi32, #tpu.memory_space<hbm>> -> memref<8x1024xi32, #tpu.memory_space<hbm>>
    %dma_start3A_143 = arith.constant 0 : i32
    %dma_start3A_144 = arith.constant 0 : i32
    %dma_start3A_145 = tpu.memref_slice %arg6[%dma_start3A_136, %dma_start3A_143, %dma_start3A_144] : memref<2x8x1024xi32, #tpu.memory_space<vmem>> -> memref<1x8x1024xi32, #tpu.memory_space<vmem>>
    %dma_start3A_146 = tpu.memref_squeeze %dma_start3A_145 : memref<1x8x1024xi32, #tpu.memory_space<vmem>> -> memref<8x1024xi32, #tpu.memory_space<vmem>>
    %dma_start3A_147 = arith.constant 0 : i32
    %dma_start3A_148 = tpu.memref_slice %arg3[%add3A_122, %dma_start3A_147] : memref<1024x1024xi32, #tpu.memory_space<hbm>> -> memref<8x1024xi32, #tpu.memory_space<hbm>>
    tpu.enqueue_dma source(%dma_start3A_148 : memref<8x1024xi32, #tpu.memory_space<hbm>>) target(%dma_start3A_146 : memref<8x1024xi32, #tpu.memory_space<vmem>>) target_semaphore(%arg11 : memref<!tpu.dma_semaphore, #tpu.memory_space<semaphore_mem>>)
    %scan3A_149 = arith.constant 0 : i32
    %scan3A_150 = arith.constant 8 : i32
    %scan3A_151 = arith.addi %scan3A_149, %scan3A_150 : i32
    %scan3A_152 = arith.constant 1 : i32
    scf.for %scan3A_251 = %scan3A_149 to %scan3A_151 step %scan3A_152  : i32 {
      %mul3A_252 = arith.constant 1 : i32
      %mul3A_253 = arith.muli %scan3A_251, %mul3A_252 : i32
      %add3A_254 = arith.constant 0 : i32
      %add3A_255 = arith.addi %add3A_254, %mul3A_253 : i32
      %parallel_loop3A = arith.constant 0 : i32
      %parallel_loop3A_256 = arith.constant 64 : i32
      %parallel_loop3A_257 = arith.constant 1 : i32
      scf.for %parallel_loop3A_258 = %parallel_loop3A to %parallel_loop3A_256 step %parallel_loop3A_257  : i32 {
        %parallel_loop3A_259 = arith.constant 16 : i32
        %parallel_loop3A_260 = arith.muli %parallel_loop3A_258, %parallel_loop3A_259 : i32
        %parallel_loop3A_261 = arith.constant 1 : i32
        %parallel_loop3A_262 = arith.index_cast %parallel_loop3A_261 : i32 to index
        %parallel_loop3A_263 = arith.index_cast %add3A_255 : i32 to index
        %parallel_loop3A_264 = arith.index_cast %parallel_loop3A_260 : i32 to index
        %parallel_loop3A_265 = tpu.vector_load %arg5[%parallel_loop3A_262, %parallel_loop3A_263, %parallel_loop3A_264] {strides = array<i32>} : memref<2x8x1024xi32, #tpu.memory_space<vmem>>, vector<16xi32>,
        %parallel_loop3A_266 = arith.constant 16 : i32
        %parallel_loop3A_267 = arith.muli %parallel_loop3A_258, %parallel_loop3A_266 : i32
        %parallel_loop3A_268 = arith.constant 1 : i32
        %parallel_loop3A_269 = arith.index_cast %parallel_loop3A_268 : i32 to index
        %parallel_loop3A_270 = arith.index_cast %add3A_255 : i32 to index
        %parallel_loop3A_271 = arith.index_cast %parallel_loop3A_267 : i32 to index
        %parallel_loop3A_272 = tpu.vector_load %arg6[%parallel_loop3A_269, %parallel_loop3A_270, %parallel_loop3A_271] {strides = array<i32>} : memref<2x8x1024xi32, #tpu.memory_space<vmem>>, vector<16xi32>,
        %parallel_loop3A_273 = arith.constant 16 : i32
        %parallel_loop3A_274 = vector.broadcast %parallel_loop3A_273 : i32 to vector<16xi32>
        %parallel_loop3A_275 = arith.muli %parallel_loop3A_272, %parallel_loop3A_274 : vector<16xi32>
        %parallel_loop3A_276 = arith.addi %parallel_loop3A_275, %iota3A : vector<16xi32>
        tpu.vector_store_idx %arg7[%parallel_loop3A_265, %parallel_loop3A_276], %broadcast_in_dim3A_5 {add = true} : memref<20x320xi32, #tpu.memory_space<vmem>>[vector<16xi32>, vector<16xi32>], vector<16xi32>,
      } {sc.loop_unroll_factor = 8 : i64, sc.parallel_access}
    }
    %scan3A_153 = arith.constant 8 : i32
    %dma_wait3A_154 = arith.constant 0 : i32
    %dma_wait3A_155 = arith.constant 0 : i32
    %dma_wait3A_156 = arith.constant 0 : i32
    %dma_wait3A_157 = tpu.memref_slice %arg5[%dma_wait3A_154, %dma_wait3A_155, %dma_wait3A_156] : memref<2x8x1024xi32, #tpu.memory_space<vmem>> -> memref<1x8x1024xi32, #tpu.memory_space<vmem>>
    %dma_wait3A_158 = tpu.memref_squeeze %dma_wait3A_157 : memref<1x8x1024xi32, #tpu.memory_space<vmem>> -> memref<8x1024xi32, #tpu.memory_space<vmem>>
    %dma_wait3A_159 = arith.constant 0 : i32
    %dma_wait3A_160 = tpu.memref_slice %arg2[%add3A_122, %dma_wait3A_159] : memref<1024x1024xi32, #tpu.memory_space<hbm>> -> memref<8x1024xi32, #tpu.memory_space<hbm>>
    %dma_wait3A_161 = arith.constant 0 : i32
    %dma_wait3A_162 = arith.constant 0 : i32
    %dma_wait3A_163 = tpu.memref_slice %arg5[%dma_wait3A_154, %dma_wait3A_161, %dma_wait3A_162] : memref<2x8x1024xi32, #tpu.memory_space<vmem>> -> memref<1x8x1024xi32, #tpu.memory_space<vmem>>
    %dma_wait3A_164 = tpu.memref_squeeze %dma_wait3A_163 : memref<1x8x1024xi32, #tpu.memory_space<vmem>> -> memref<8x1024xi32, #tpu.memory_space<vmem>>
    %dma_wait3A_165 = arith.constant 0 : i32
    %dma_wait3A_166 = tpu.memref_slice %arg2[%add3A_122, %dma_wait3A_165] : memref<1024x1024xi32, #tpu.memory_space<hbm>> -> memref<8x1024xi32, #tpu.memory_space<hbm>>
    tpu.wait_dma2 semaphore(%arg9 : memref<!tpu.dma_semaphore, #tpu.memory_space<semaphore_mem>>) src(%dma_wait3A_166 : memref<8x1024xi32, #tpu.memory_space<hbm>>) dst(%dma_wait3A_164 : memref<8x1024xi32, #tpu.memory_space<vmem>>)
    %dma_wait3A_167 = arith.constant 0 : i32
    %dma_wait3A_168 = arith.constant 0 : i32
    %dma_wait3A_169 = arith.constant 0 : i32
    %dma_wait3A_170 = tpu.memref_slice %arg6[%dma_wait3A_167, %dma_wait3A_168, %dma_wait3A_169] : memref<2x8x1024xi32, #tpu.memory_space<vmem>> -> memref<1x8x1024xi32, #tpu.memory_space<vmem>>
    %dma_wait3A_171 = tpu.memref_squeeze %dma_wait3A_170 : memref<1x8x1024xi32, #tpu.memory_space<vmem>> -> memref<8x1024xi32, #tpu.memory_space<vmem>>
    %dma_wait3A_172 = arith.constant 0 : i32
    %dma_wait3A_173 = tpu.memref_slice %arg3[%add3A_122, %dma_wait3A_172] : memref<1024x1024xi32, #tpu.memory_space<hbm>> -> memref<8x1024xi32, #tpu.memory_space<hbm>>
    %dma_wait3A_174 = arith.constant 0 : i32
    %dma_wait3A_175 = arith.constant 0 : i32
    %dma_wait3A_176 = tpu.memref_slice %arg6[%dma_wait3A_167, %dma_wait3A_174, %dma_wait3A_175] : memref<2x8x1024xi32, #tpu.memory_space<vmem>> -> memref<1x8x1024xi32, #tpu.memory_space<vmem>>
    %dma_wait3A_177 = tpu.memref_squeeze %dma_wait3A_176 : memref<1x8x1024xi32, #tpu.memory_space<vmem>> -> memref<8x1024xi32, #tpu.memory_space<vmem>>
    %dma_wait3A_178 = arith.constant 0 : i32
    %dma_wait3A_179 = tpu.memref_slice %arg3[%add3A_122, %dma_wait3A_178] : memref<1024x1024xi32, #tpu.memory_space<hbm>> -> memref<8x1024xi32, #tpu.memory_space<hbm>>
    tpu.wait_dma2 semaphore(%arg11 : memref<!tpu.dma_semaphore, #tpu.memory_space<semaphore_mem>>) src(%dma_wait3A_179 : memref<8x1024xi32, #tpu.memory_space<hbm>>) dst(%dma_wait3A_177 : memref<8x1024xi32, #tpu.memory_space<vmem>>)
    %add3A_180 = arith.constant 24 : i32
    %add3A_181 = arith.addi %mul3A_2, %add3A_180 : i32
    %dma_start3A_182 = arith.constant 1 : i32
    %dma_start3A_183 = arith.constant 0 : i32
    %dma_start3A_184 = arith.constant 0 : i32
    %dma_start3A_185 = tpu.memref_slice %arg5[%dma_start3A_182, %dma_start3A_183, %dma_start3A_184] : memref<2x8x1024xi32, #tpu.memory_space<vmem>> -> memref<1x8x1024xi32, #tpu.memory_space<vmem>>
    %dma_start3A_186 = tpu.memref_squeeze %dma_start3A_185 : memref<1x8x1024xi32, #tpu.memory_space<vmem>> -> memref<8x1024xi32, #tpu.memory_space<vmem>>
    %dma_start3A_187 = arith.constant 0 : i32
    %dma_start3A_188 = tpu.memref_slice %arg2[%add3A_181, %dma_start3A_187] : memref<1024x1024xi32, #tpu.memory_space<hbm>> -> memref<8x1024xi32, #tpu.memory_space<hbm>>
    %dma_start3A_189 = arith.constant 0 : i32
    %dma_start3A_190 = arith.constant 0 : i32
    %dma_start3A_191 = tpu.memref_slice %arg5[%dma_start3A_182, %dma_start3A_189, %dma_start3A_190] : memref<2x8x1024xi32, #tpu.memory_space<vmem>> -> memref<1x8x1024xi32, #tpu.memory_space<vmem>>
    %dma_start3A_192 = tpu.memref_squeeze %dma_start3A_191 : memref<1x8x1024xi32, #tpu.memory_space<vmem>> -> memref<8x1024xi32, #tpu.memory_space<vmem>>
    %dma_start3A_193 = arith.constant 0 : i32
    %dma_start3A_194 = tpu.memref_slice %arg2[%add3A_181, %dma_start3A_193] : memref<1024x1024xi32, #tpu.memory_space<hbm>> -> memref<8x1024xi32, #tpu.memory_space<hbm>>
    tpu.enqueue_dma source(%dma_start3A_194 : memref<8x1024xi32, #tpu.memory_space<hbm>>) target(%dma_start3A_192 : memref<8x1024xi32, #tpu.memory_space<vmem>>) target_semaphore(%arg10 : memref<!tpu.dma_semaphore, #tpu.memory_space<semaphore_mem>>)
    %dma_start3A_195 = arith.constant 1 : i32
    %dma_start3A_196 = arith.constant 0 : i32
    %dma_start3A_197 = arith.constant 0 : i32
    %dma_start3A_198 = tpu.memref_slice %arg6[%dma_start3A_195, %dma_start3A_196, %dma_start3A_197] : memref<2x8x1024xi32, #tpu.memory_space<vmem>> -> memref<1x8x1024xi32, #tpu.memory_space<vmem>>
    %dma_start3A_199 = tpu.memref_squeeze %dma_start3A_198 : memref<1x8x1024xi32, #tpu.memory_space<vmem>> -> memref<8x1024xi32, #tpu.memory_space<vmem>>
    %dma_start3A_200 = arith.constant 0 : i32
    %dma_start3A_201 = tpu.memref_slice %arg3[%add3A_181, %dma_start3A_200] : memref<1024x1024xi32, #tpu.memory_space<hbm>> -> memref<8x1024xi32, #tpu.memory_space<hbm>>
    %dma_start3A_202 = arith.constant 0 : i32
    %dma_start3A_203 = arith.constant 0 : i32
    %dma_start3A_204 = tpu.memref_slice %arg6[%dma_start3A_195, %dma_start3A_202, %dma_start3A_203] : memref<2x8x1024xi32, #tpu.memory_space<vmem>> -> memref<1x8x1024xi32, #tpu.memory_space<vmem>>
    %dma_start3A_205 = tpu.memref_squeeze %dma_start3A_204 : memref<1x8x1024xi32, #tpu.memory_space<vmem>> -> memref<8x1024xi32, #tpu.memory_space<vmem>>
    %dma_start3A_206 = arith.constant 0 : i32
    %dma_start3A_207 = tpu.memref_slice %arg3[%add3A_181, %dma_start3A_206] : memref<1024x1024xi32, #tpu.memory_space<hbm>> -> memref<8x1024xi32, #tpu.memory_space<hbm>>
    tpu.enqueue_dma source(%dma_start3A_207 : memref<8x1024xi32, #tpu.memory_space<hbm>>) target(%dma_start3A_205 : memref<8x1024xi32, #tpu.memory_space<vmem>>) target_semaphore(%arg12 : memref<!tpu.dma_semaphore, #tpu.memory_space<semaphore_mem>>)
    %scan3A_208 = arith.constant 0 : i32
    %scan3A_209 = arith.constant 8 : i32
    %scan3A_210 = arith.addi %scan3A_208, %scan3A_209 : i32
    %scan3A_211 = arith.constant 1 : i32
    scf.for %scan3A_251 = %scan3A_208 to %scan3A_210 step %scan3A_211  : i32 {
      %mul3A_252 = arith.constant 1 : i32
      %mul3A_253 = arith.muli %scan3A_251, %mul3A_252 : i32
      %add3A_254 = arith.constant 0 : i32
      %add3A_255 = arith.addi %add3A_254, %mul3A_253 : i32
      %parallel_loop3A = arith.constant 0 : i32
      %parallel_loop3A_256 = arith.constant 64 : i32
      %parallel_loop3A_257 = arith.constant 1 : i32
      scf.for %parallel_loop3A_258 = %parallel_loop3A to %parallel_loop3A_256 step %parallel_loop3A_257  : i32 {
        %parallel_loop3A_259 = arith.constant 16 : i32
        %parallel_loop3A_260 = arith.muli %parallel_loop3A_258, %parallel_loop3A_259 : i32
        %parallel_loop3A_261 = arith.constant 0 : i32
        %parallel_loop3A_262 = arith.index_cast %parallel_loop3A_261 : i32 to index
        %parallel_loop3A_263 = arith.index_cast %add3A_255 : i32 to index
        %parallel_loop3A_264 = arith.index_cast %parallel_loop3A_260 : i32 to index
        %parallel_loop3A_265 = tpu.vector_load %arg5[%parallel_loop3A_262, %parallel_loop3A_263, %parallel_loop3A_264] {strides = array<i32>} : memref<2x8x1024xi32, #tpu.memory_space<vmem>>, vector<16xi32>,
        %parallel_loop3A_266 = arith.constant 16 : i32
        %parallel_loop3A_267 = arith.muli %parallel_loop3A_258, %parallel_loop3A_266 : i32
        %parallel_loop3A_268 = arith.constant 0 : i32
        %parallel_loop3A_269 = arith.index_cast %parallel_loop3A_268 : i32 to index
        %parallel_loop3A_270 = arith.index_cast %add3A_255 : i32 to index
        %parallel_loop3A_271 = arith.index_cast %parallel_loop3A_267 : i32 to index
        %parallel_loop3A_272 = tpu.vector_load %arg6[%parallel_loop3A_269, %parallel_loop3A_270, %parallel_loop3A_271] {strides = array<i32>} : memref<2x8x1024xi32, #tpu.memory_space<vmem>>, vector<16xi32>,
        %parallel_loop3A_273 = arith.constant 16 : i32
        %parallel_loop3A_274 = vector.broadcast %parallel_loop3A_273 : i32 to vector<16xi32>
        %parallel_loop3A_275 = arith.muli %parallel_loop3A_272, %parallel_loop3A_274 : vector<16xi32>
        %parallel_loop3A_276 = arith.addi %parallel_loop3A_275, %iota3A : vector<16xi32>
        tpu.vector_store_idx %arg7[%parallel_loop3A_265, %parallel_loop3A_276], %broadcast_in_dim3A_5 {add = true} : memref<20x320xi32, #tpu.memory_space<vmem>>[vector<16xi32>, vector<16xi32>], vector<16xi32>,
      } {sc.loop_unroll_factor = 8 : i64, sc.parallel_access}
    }
    %scan3A_212 = arith.constant 8 : i32
    %dma_wait3A_213 = arith.constant 1 : i32
    %dma_wait3A_214 = arith.constant 0 : i32
    %dma_wait3A_215 = arith.constant 0 : i32
    %dma_wait3A_216 = tpu.memref_slice %arg5[%dma_wait3A_213, %dma_wait3A_214, %dma_wait3A_215] : memref<2x8x1024xi32, #tpu.memory_space<vmem>> -> memref<1x8x1024xi32, #tpu.memory_space<vmem>>
    %dma_wait3A_217 = tpu.memref_squeeze %dma_wait3A_216 : memref<1x8x1024xi32, #tpu.memory_space<vmem>> -> memref<8x1024xi32, #tpu.memory_space<vmem>>
    %dma_wait3A_218 = arith.constant 0 : i32
    %dma_wait3A_219 = tpu.memref_slice %arg2[%add3A_181, %dma_wait3A_218] : memref<1024x1024xi32, #tpu.memory_space<hbm>> -> memref<8x1024xi32, #tpu.memory_space<hbm>>
    %dma_wait3A_220 = arith.constant 0 : i32
    %dma_wait3A_221 = arith.constant 0 : i32
    %dma_wait3A_222 = tpu.memref_slice %arg5[%dma_wait3A_213, %dma_wait3A_220, %dma_wait3A_221] : memref<2x8x1024xi32, #tpu.memory_space<vmem>> -> memref<1x8x1024xi32, #tpu.memory_space<vmem>>
    %dma_wait3A_223 = tpu.memref_squeeze %dma_wait3A_222 : memref<1x8x1024xi32, #tpu.memory_space<vmem>> -> memref<8x1024xi32, #tpu.memory_space<vmem>>
    %dma_wait3A_224 = arith.constant 0 : i32
    %dma_wait3A_225 = tpu.memref_slice %arg2[%add3A_181, %dma_wait3A_224] : memref<1024x1024xi32, #tpu.memory_space<hbm>> -> memref<8x1024xi32, #tpu.memory_space<hbm>>
    tpu.wait_dma2 semaphore(%arg10 : memref<!tpu.dma_semaphore, #tpu.memory_space<semaphore_mem>>) src(%dma_wait3A_225 : memref<8x1024xi32, #tpu.memory_space<hbm>>) dst(%dma_wait3A_223 : memref<8x1024xi32, #tpu.memory_space<vmem>>)
    %dma_wait3A_226 = arith.constant 1 : i32
    %dma_wait3A_227 = arith.constant 0 : i32
    %dma_wait3A_228 = arith.constant 0 : i32
    %dma_wait3A_229 = tpu.memref_slice %arg6[%dma_wait3A_226, %dma_wait3A_227, %dma_wait3A_228] : memref<2x8x1024xi32, #tpu.memory_space<vmem>> -> memref<1x8x1024xi32, #tpu.memory_space<vmem>>
    %dma_wait3A_230 = tpu.memref_squeeze %dma_wait3A_229 : memref<1x8x1024xi32, #tpu.memory_space<vmem>> -> memref<8x1024xi32, #tpu.memory_space<vmem>>
    %dma_wait3A_231 = arith.constant 0 : i32
    %dma_wait3A_232 = tpu.memref_slice %arg3[%add3A_181, %dma_wait3A_231] : memref<1024x1024xi32, #tpu.memory_space<hbm>> -> memref<8x1024xi32, #tpu.memory_space<hbm>>
    %dma_wait3A_233 = arith.constant 0 : i32
    %dma_wait3A_234 = arith.constant 0 : i32
    %dma_wait3A_235 = tpu.memref_slice %arg6[%dma_wait3A_226, %dma_wait3A_233, %dma_wait3A_234] : memref<2x8x1024xi32, #tpu.memory_space<vmem>> -> memref<1x8x1024xi32, #tpu.memory_space<vmem>>
    %dma_wait3A_236 = tpu.memref_squeeze %dma_wait3A_235 : memref<1x8x1024xi32, #tpu.memory_space<vmem>> -> memref<8x1024xi32, #tpu.memory_space<vmem>>
    %dma_wait3A_237 = arith.constant 0 : i32
    %dma_wait3A_238 = tpu.memref_slice %arg3[%add3A_181, %dma_wait3A_237] : memref<1024x1024xi32, #tpu.memory_space<hbm>> -> memref<8x1024xi32, #tpu.memory_space<hbm>>
    tpu.wait_dma2 semaphore(%arg12 : memref<!tpu.dma_semaphore, #tpu.memory_space<semaphore_mem>>) src(%dma_wait3A_238 : memref<8x1024xi32, #tpu.memory_space<hbm>>) dst(%dma_wait3A_236 : memref<8x1024xi32, #tpu.memory_space<vmem>>)
    %scan3A_239 = arith.constant 0 : i32
    %scan3A_240 = arith.constant 8 : i32
    %scan3A_241 = arith.addi %scan3A_239, %scan3A_240 : i32
    %scan3A_242 = arith.constant 1 : i32
    scf.for %scan3A_251 = %scan3A_239 to %scan3A_241 step %scan3A_242  : i32 {
      %mul3A_252 = arith.constant 1 : i32
      %mul3A_253 = arith.muli %scan3A_251, %mul3A_252 : i32
      %add3A_254 = arith.constant 0 : i32
      %add3A_255 = arith.addi %add3A_254, %mul3A_253 : i32
      %parallel_loop3A = arith.constant 0 : i32
      %parallel_loop3A_256 = arith.constant 64 : i32
      %parallel_loop3A_257 = arith.constant 1 : i32
      scf.for %parallel_loop3A_258 = %parallel_loop3A to %parallel_loop3A_256 step %parallel_loop3A_257  : i32 {
        %parallel_loop3A_259 = arith.constant 16 : i32
        %parallel_loop3A_260 = arith.muli %parallel_loop3A_258, %parallel_loop3A_259 : i32
        %parallel_loop3A_261 = arith.constant 1 : i32
        %parallel_loop3A_262 = arith.index_cast %parallel_loop3A_261 : i32 to index
        %parallel_loop3A_263 = arith.index_cast %add3A_255 : i32 to index
        %parallel_loop3A_264 = arith.index_cast %parallel_loop3A_260 : i32 to index
        %parallel_loop3A_265 = tpu.vector_load %arg5[%parallel_loop3A_262, %parallel_loop3A_263, %parallel_loop3A_264] {strides = array<i32>} : memref<2x8x1024xi32, #tpu.memory_space<vmem>>, vector<16xi32>,
        %parallel_loop3A_266 = arith.constant 16 : i32
        %parallel_loop3A_267 = arith.muli %parallel_loop3A_258, %parallel_loop3A_266 : i32
        %parallel_loop3A_268 = arith.constant 1 : i32
        %parallel_loop3A_269 = arith.index_cast %parallel_loop3A_268 : i32 to index
        %parallel_loop3A_270 = arith.index_cast %add3A_255 : i32 to index
        %parallel_loop3A_271 = arith.index_cast %parallel_loop3A_267 : i32 to index
        %parallel_loop3A_272 = tpu.vector_load %arg6[%parallel_loop3A_269, %parallel_loop3A_270, %parallel_loop3A_271] {strides = array<i32>} : memref<2x8x1024xi32, #tpu.memory_space<vmem>>, vector<16xi32>,
        %parallel_loop3A_273 = arith.constant 16 : i32
        %parallel_loop3A_274 = vector.broadcast %parallel_loop3A_273 : i32 to vector<16xi32>
        %parallel_loop3A_275 = arith.muli %parallel_loop3A_272, %parallel_loop3A_274 : vector<16xi32>
        %parallel_loop3A_276 = arith.addi %parallel_loop3A_275, %iota3A : vector<16xi32>
        tpu.vector_store_idx %arg7[%parallel_loop3A_265, %parallel_loop3A_276], %broadcast_in_dim3A_5 {add = true} : memref<20x320xi32, #tpu.memory_space<vmem>>[vector<16xi32>, vector<16xi32>], vector<16xi32>,
      } {sc.loop_unroll_factor = 8 : i64, sc.parallel_access}
    }
    %scan3A_243 = arith.constant 8 : i32
    %eq3A = arith.constant 15 : i32
    %eq3A_244 = vector.broadcast %eq3A : i32 to vector<16xi32>
    %eq3A_245 = arith.cmpi eq, %iota3A, %eq3A_244 : vector<16xi32>
    %scan3A_246 = arith.constant 0 : i32
    %scan3A_247 = arith.constant 20 : i32
    %scan3A_248 = arith.addi %scan3A_246, %scan3A_247 : i32
    %scan3A_249 = arith.constant 1 : i32
    scf.for %scan3A_251 = %scan3A_246 to %scan3A_248 step %scan3A_249  : i32 {
      %mul3A_252 = arith.constant 1 : i32
      %mul3A_253 = arith.muli %scan3A_251, %mul3A_252 : i32
      %add3A_254 = arith.constant 0 : i32
      %add3A_255 = arith.addi %add3A_254, %mul3A_253 : i32
      %parallel_loop3A = arith.constant 0 : i32
      %parallel_loop3A_256 = arith.constant 20 : i32
      %parallel_loop3A_257 = arith.constant 1 : i32
      scf.for %parallel_loop3A_258 = %parallel_loop3A to %parallel_loop3A_256 step %parallel_loop3A_257  : i32 {
        %parallel_loop3A_259 = arith.constant 16 : i32
        %parallel_loop3A_260 = arith.muli %parallel_loop3A_258, %parallel_loop3A_259 : i32
        %parallel_loop3A_261 = arith.index_cast %add3A_255 : i32 to index
        %parallel_loop3A_262 = arith.index_cast %parallel_loop3A_260 : i32 to index
        %parallel_loop3A_263 = tpu.vector_load %arg7[%parallel_loop3A_261, %parallel_loop3A_262] {strides = array<i32>} : memref<20x320xi32, #tpu.memory_space<vmem>>, vector<16xi32>,
        %parallel_loop3A_264 = arith.constant true
        %parallel_loop3A_265 = vector.broadcast %parallel_loop3A_264 : i1 to vector<16xi1>
        %parallel_loop3A_266 = tpu.scan <sum>, %parallel_loop3A_263 masked %parallel_loop3A_265 : vector<16xi32>, vector<16xi1> -> vector<16xi32>
        %parallel_loop3A_267 = vector.broadcast %add3A_255 : i32 to vector<16xi32>
        %parallel_loop3A_268 = vector.broadcast %parallel_loop3A_258 : i32 to vector<16xi32>
        tpu.vector_store_idx %arg8[%parallel_loop3A_267, %parallel_loop3A_268], %parallel_loop3A_266 masked %eq3A_245 : memref<20x20xi32, #tpu.memory_space<vmem>>[vector<16xi32>, vector<16xi32>], vector<16xi32>, vector<16xi1>
      } {sc.loop_unroll_factor = 4 : i64, sc.parallel_access}
    }
    %scan3A_250 = arith.constant 20 : i32
    "tpu.region"() ({
      %run_scoped3A = tpu.sem_alloc : memref<!tpu.dma_semaphore, #tpu.memory_space<semaphore_mem>>
      %dma_start3A_251 = arith.constant 0 : i32
      %dma_start3A_252 = arith.constant 0 : i32
      %dma_start3A_253 = tpu.memref_slice %arg4[%add3A, %dma_start3A_251, %dma_start3A_252] : memref<32x20x20xi32, #tpu.memory_space<hbm>> -> memref<1x20x20xi32, #tpu.memory_space<hbm>>
      %dma_start3A_254 = tpu.memref_squeeze %dma_start3A_253 : memref<1x20x20xi32, #tpu.memory_space<hbm>> -> memref<20x20xi32, #tpu.memory_space<hbm>>
      %dma_start3A_255 = arith.constant 0 : i32
      %dma_start3A_256 = arith.constant 0 : i32
      %dma_start3A_257 = tpu.memref_slice %arg4[%add3A, %dma_start3A_255, %dma_start3A_256] : memref<32x20x20xi32, #tpu.memory_space<hbm>> -> memref<1x20x20xi32, #tpu.memory_space<hbm>>
      %dma_start3A_258 = tpu.memref_squeeze %dma_start3A_257 : memref<1x20x20xi32, #tpu.memory_space<hbm>> -> memref<20x20xi32, #tpu.memory_space<hbm>>
      tpu.enqueue_dma source(%arg8 : memref<20x20xi32, #tpu.memory_space<vmem>>) target(%dma_start3A_258 : memref<20x20xi32, #tpu.memory_space<hbm>>) target_semaphore(%run_scoped3A : memref<!tpu.dma_semaphore, #tpu.memory_space<semaphore_mem>>)
      %dma_wait3A_259 = arith.constant 0 : i32
      %dma_wait3A_260 = arith.constant 0 : i32
      %dma_wait3A_261 = tpu.memref_slice %arg4[%add3A, %dma_wait3A_259, %dma_wait3A_260] : memref<32x20x20xi32, #tpu.memory_space<hbm>> -> memref<1x20x20xi32, #tpu.memory_space<hbm>>
      %dma_wait3A_262 = tpu.memref_squeeze %dma_wait3A_261 : memref<1x20x20xi32, #tpu.memory_space<hbm>> -> memref<20x20xi32, #tpu.memory_space<hbm>>
      %dma_wait3A_263 = arith.constant 0 : i32
      %dma_wait3A_264 = arith.constant 0 : i32
      %dma_wait3A_265 = tpu.memref_slice %arg4[%add3A, %dma_wait3A_263, %dma_wait3A_264] : memref<32x20x20xi32, #tpu.memory_space<hbm>> -> memref<1x20x20xi32, #tpu.memory_space<hbm>>
      %dma_wait3A_266 = tpu.memref_squeeze %dma_wait3A_265 : memref<1x20x20xi32, #tpu.memory_space<hbm>> -> memref<20x20xi32, #tpu.memory_space<hbm>>
      tpu.wait_dma2 semaphore(%run_scoped3A : memref<!tpu.dma_semaphore, #tpu.memory_space<semaphore_mem>>) src(%arg8 : memref<20x20xi32, #tpu.memory_space<vmem>>) dst(%dma_wait3A_266 : memref<20x20xi32, #tpu.memory_space<hbm>>)
      tpu.yield
    }) : () -> ()
    return
  }
}

module attributes {stable_mosaic.version = 14 : i64} {
  func.func @_sim_body(%arg0: memref<32x20x20xi32, #tpu.memory_space<vmem>>, %arg1: memref<1x1xf32, #tpu.memory_space<vmem>>) attributes {dimension_semantics = [], scalar_prefetch = 0 : i64, scratch_operands = 0 : i64, tpu.core_type = #tpu.core_type<tc>} {
    %get3A = arith.constant 0 : index
    %get3A_0 = arith.constant 0 : index
    %get3A_1 = arith.constant 0 : index
    %get3A_2 = vector.load %arg0[%get3A, %get3A_0, %get3A_1] : memref<32x20x20xi32, #tpu.memory_space<vmem>>, vector<32x20x20xi32>
    %reduce_sum3A = arith.constant dense<0> : vector<20x20xi32>
    %reduce_sum3A_3 = vector.multi_reduction <add>, %get3A_2, %reduce_sum3A [0] : vector<32x20x20xi32> to vector<20x20xi32>
    %reduce_sum3A_4 = arith.constant dense<0> : vector<20xi32>
    %reduce_sum3A_5 = vector.multi_reduction <add>, %reduce_sum3A_3, %reduce_sum3A_4 [1] : vector<20x20xi32> to vector<20xi32>
    %broadcast_in_dim3A = vector.shape_cast %reduce_sum3A_5 : vector<20xi32> to vector<20x1xi32>
    %reduce_sum3A_6 = arith.constant dense<0> : vector<20xi32>
    %reduce_sum3A_7 = vector.multi_reduction <add>, %reduce_sum3A_3, %reduce_sum3A_6 [0] : vector<20x20xi32> to vector<20xi32>
    %broadcast_in_dim3A_8 = vector.shape_cast %reduce_sum3A_7 : vector<20xi32> to vector<1x20xi32>
    %gt3A = arith.constant 0 : i32
    %gt3A_9 = vector.broadcast %gt3A : i32 to vector<20x1xi32>
    %gt3A_10 = arith.cmpi sgt, %broadcast_in_dim3A, %gt3A_9 : vector<20x1xi32>
    %jit3A = arith.constant 1 : i32
    %jit3A_11 = arith.constant 0 : i32
    %broadcast_in_dim3A_12 = vector.broadcast %jit3A : i32 to vector<20x1xi32>
    %broadcast_in_dim3A_13 = vector.broadcast %jit3A_11 : i32 to vector<20x1xi32>
    %select_n3A = arith.select %gt3A_10, %broadcast_in_dim3A_12, %broadcast_in_dim3A_13 : vector<20x1xi1>, vector<20x1xi32>
    %iota3A = tpu.iota {dimensions = array<i32: 1>} : vector<1x20xi32>
    %iota3A_14 = tpu.iota {dimensions = array<i32: 0>} : vector<20x1xi32>
    %eq3A = arith.constant 0 : i32
    %eq3A_15 = vector.broadcast %eq3A : i32 to vector<1x20xi32>
    %eq3A_16 = arith.cmpi eq, %iota3A, %eq3A_15 : vector<1x20xi32>
    %jit3A_17 = arith.constant 1 : i32
    %jit3A_18 = arith.constant 0 : i32
    %broadcast_in_dim3A_19 = vector.broadcast %jit3A_17 : i32 to vector<1x20xi32>
    %broadcast_in_dim3A_20 = vector.broadcast %jit3A_18 : i32 to vector<1x20xi32>
    %select_n3A_21 = arith.select %eq3A_16, %broadcast_in_dim3A_19, %broadcast_in_dim3A_20 : vector<1x20xi1>, vector<1x20xi32>
    %eq3A_22 = arith.constant 0 : i32
    %eq3A_23 = vector.broadcast %eq3A_22 : i32 to vector<20x1xi32>
    %eq3A_24 = arith.cmpi eq, %iota3A_14, %eq3A_23 : vector<20x1xi32>
    %jit3A_25 = arith.constant 1 : i32
    %jit3A_26 = arith.constant 0 : i32
    %broadcast_in_dim3A_27 = vector.broadcast %jit3A_25 : i32 to vector<20x1xi32>
    %broadcast_in_dim3A_28 = vector.broadcast %jit3A_26 : i32 to vector<20x1xi32>
    %select_n3A_29 = arith.select %eq3A_24, %broadcast_in_dim3A_27, %broadcast_in_dim3A_28 : vector<20x1xi1>, vector<20x1xi32>
    %sub3A = arith.constant 1 : i32
    %sub3A_30 = vector.broadcast %sub3A : i32 to vector<1x20xi32>
    %sub3A_31 = arith.subi %sub3A_30, %select_n3A_21 : vector<1x20xi32>
    %sub3A_32 = arith.constant 1 : i32
    %sub3A_33 = vector.broadcast %sub3A_32 : i32 to vector<20x1xi32>
    %sub3A_34 = arith.subi %sub3A_33, %select_n3A_29 : vector<20x1xi32>
    %add3A = vector.broadcast %broadcast_in_dim3A : vector<20x1xi32> to vector<20x20xi32>
    %add3A_35 = vector.broadcast %broadcast_in_dim3A_8 : vector<1x20xi32> to vector<20x20xi32>
    %add3A_36 = arith.addi %add3A, %add3A_35 : vector<20x20xi32>
    %sub3A_37 = arith.subi %add3A_36, %reduce_sum3A_3 : vector<20x20xi32>
    %mul3A = arith.constant 2 : i32
    %mul3A_38 = vector.broadcast %mul3A : i32 to vector<20x20xi32>
    %mul3A_39 = arith.muli %mul3A_38, %reduce_sum3A_3 : vector<20x20xi32>
    %gt3A_40 = arith.cmpi sgt, %mul3A_39, %sub3A_37 : vector<20x20xi32>
    %jit3A_41 = arith.constant 1 : i32
    %jit3A_42 = arith.constant 0 : i32
    %broadcast_in_dim3A_43 = vector.broadcast %jit3A_41 : i32 to vector<20x20xi32>
    %broadcast_in_dim3A_44 = vector.broadcast %jit3A_42 : i32 to vector<20x20xi32>
    %select_n3A_45 = arith.select %gt3A_40, %broadcast_in_dim3A_43, %broadcast_in_dim3A_44 : vector<20x20xi1>, vector<20x20xi32>
    %mul3A_46 = vector.broadcast %select_n3A : vector<20x1xi32> to vector<20x20xi32>
    %mul3A_47 = arith.muli %mul3A_46, %select_n3A_45 : vector<20x20xi32>
    %mul3A_48 = vector.broadcast %sub3A_31 : vector<1x20xi32> to vector<20x20xi32>
    %mul3A_49 = arith.muli %mul3A_47, %mul3A_48 : vector<20x20xi32>
    %reduce_sum3A_50 = arith.constant dense<0> : vector<20xi32>
    %reduce_sum3A_51 = vector.multi_reduction <add>, %mul3A_49, %reduce_sum3A_50 [0] : vector<20x20xi32> to vector<20xi32>
    %broadcast_in_dim3A_52 = vector.shape_cast %reduce_sum3A_51 : vector<20xi32> to vector<1x20xi32>
    %mul3A_53 = vector.broadcast %iota3A_14 : vector<20x1xi32> to vector<20x20xi32>
    %mul3A_54 = arith.muli %mul3A_49, %mul3A_53 : vector<20x20xi32>
    %reduce_sum3A_55 = arith.constant dense<0> : vector<20xi32>
    %reduce_sum3A_56 = vector.multi_reduction <add>, %mul3A_54, %reduce_sum3A_55 [0] : vector<20x20xi32> to vector<20xi32>
    %broadcast_in_dim3A_57 = vector.shape_cast %reduce_sum3A_56 : vector<20xi32> to vector<1x20xi32>
    %lt3A = vector.broadcast %broadcast_in_dim3A_57 : vector<1x20xi32> to vector<20x20xi32>
    %lt3A_58 = vector.broadcast %iota3A_14 : vector<20x1xi32> to vector<20x20xi32>
    %lt3A_59 = arith.cmpi slt, %lt3A, %lt3A_58 : vector<20x20xi32>
    %jit3A_60 = arith.constant 1 : i32
    %jit3A_61 = arith.constant 0 : i32
    %broadcast_in_dim3A_62 = vector.broadcast %jit3A_60 : i32 to vector<20x20xi32>
    %broadcast_in_dim3A_63 = vector.broadcast %jit3A_61 : i32 to vector<20x20xi32>
    %select_n3A_64 = arith.select %lt3A_59, %broadcast_in_dim3A_62, %broadcast_in_dim3A_63 : vector<20x20xi1>, vector<20x20xi32>
    %mul3A_65 = vector.broadcast %broadcast_in_dim3A_52 : vector<1x20xi32> to vector<20x20xi32>
    %mul3A_66 = arith.muli %mul3A_65, %select_n3A_64 : vector<20x20xi32>
    %mul3A_67 = vector.broadcast %select_n3A_21 : vector<1x20xi32> to vector<20x20xi32>
    %mul3A_68 = arith.muli %reduce_sum3A_3, %mul3A_67 : vector<20x20xi32>
    %reduce_sum3A_69 = arith.constant dense<0> : vector<20xi32>
    %reduce_sum3A_70 = vector.multi_reduction <add>, %mul3A_68, %reduce_sum3A_69 [1] : vector<20x20xi32> to vector<20xi32>
    %broadcast_in_dim3A_71 = vector.shape_cast %reduce_sum3A_70 : vector<20xi32> to vector<20x1xi32>
    %mul3A_72 = arith.muli %reduce_sum3A_3, %mul3A_66 : vector<20x20xi32>
    %reduce_sum3A_73 = arith.constant dense<0> : vector<20xi32>
    %reduce_sum3A_74 = vector.multi_reduction <add>, %mul3A_72, %reduce_sum3A_73 [1] : vector<20x20xi32> to vector<20xi32>
    %broadcast_in_dim3A_75 = vector.shape_cast %reduce_sum3A_74 : vector<20xi32> to vector<20x1xi32>
    %add3A_76 = arith.addi %broadcast_in_dim3A_71, %broadcast_in_dim3A_75 : vector<20x1xi32>
    %mul3A_77 = arith.muli %broadcast_in_dim3A_8, %select_n3A_21 : vector<1x20xi32>
    %reduce_sum3A_78 = vector.shape_cast %mul3A_77 : vector<1x20xi32> to vector<1x1x20xi32>
    %reduce_sum3A_79 = arith.constant dense<0> : vector<1xi32>
    %reduce_sum3A_80 = vector.multi_reduction <add>, %reduce_sum3A_78, %reduce_sum3A_79 [1, 2] : vector<1x1x20xi32> to vector<1xi32>
    %reduce_sum3A_81 = vector.shape_cast %reduce_sum3A_80 : vector<1xi32> to vector<1x1x1xi32>
    %reduce_sum3A_82 = vector.extract %reduce_sum3A_81[0, 0, 0] : i32 from vector<1x1x1xi32>
    %mul3A_83 = vector.broadcast %broadcast_in_dim3A_8 : vector<1x20xi32> to vector<20x20xi32>
    %mul3A_84 = arith.muli %mul3A_83, %mul3A_66 : vector<20x20xi32>
    %reduce_sum3A_85 = arith.constant dense<0> : vector<20xi32>
    %reduce_sum3A_86 = vector.multi_reduction <add>, %mul3A_84, %reduce_sum3A_85 [1] : vector<20x20xi32> to vector<20xi32>
    %broadcast_in_dim3A_87 = vector.shape_cast %reduce_sum3A_86 : vector<20xi32> to vector<20x1xi32>
    %add3A_88 = vector.broadcast %reduce_sum3A_82 : i32 to vector<20x1xi32>
    %add3A_89 = arith.addi %add3A_88, %broadcast_in_dim3A_87 : vector<20x1xi32>
    %add3A_90 = arith.addi %broadcast_in_dim3A, %add3A_89 : vector<20x1xi32>
    %sub3A_91 = arith.subi %add3A_90, %add3A_76 : vector<20x1xi32>
    %sub3A_92 = arith.constant 1048576 : i32
    %sub3A_93 = vector.broadcast %sub3A_92 : i32 to vector<20x1xi32>
    %sub3A_94 = arith.subi %sub3A_93, %broadcast_in_dim3A : vector<20x1xi32>
    %gt3A_95 = arith.constant 0 : i32
    %gt3A_96 = vector.broadcast %gt3A_95 : i32 to vector<20x1xi32>
    %gt3A_97 = arith.cmpi sgt, %sub3A_94, %gt3A_96 : vector<20x1xi32>
    %gt3A_98 = arith.constant 0 : i32
    %gt3A_99 = vector.broadcast %gt3A_98 : i32 to vector<20x1xi32>
    %gt3A_100 = arith.cmpi sgt, %add3A_76, %gt3A_99 : vector<20x1xi32>
    %or3A = arith.ori %gt3A_97, %gt3A_100 : vector<20x1xi1>
    %jit3A_101 = arith.constant 1 : i32
    %jit3A_102 = arith.constant 0 : i32
    %broadcast_in_dim3A_103 = vector.broadcast %jit3A_101 : i32 to vector<20x1xi32>
    %broadcast_in_dim3A_104 = vector.broadcast %jit3A_102 : i32 to vector<20x1xi32>
    %select_n3A_105 = arith.select %or3A, %broadcast_in_dim3A_103, %broadcast_in_dim3A_104 : vector<20x1xi1>, vector<20x1xi32>
    %mul3A_106 = arith.muli %select_n3A, %select_n3A_105 : vector<20x1xi32>
    %mul3A_107 = arith.constant 2 : i32
    %mul3A_108 = vector.broadcast %mul3A_107 : i32 to vector<20x1xi32>
    %mul3A_109 = arith.muli %mul3A_108, %add3A_76 : vector<20x1xi32>
    %gt3A_110 = arith.cmpi sgt, %mul3A_109, %sub3A_91 : vector<20x1xi32>
    %jit3A_111 = arith.constant 1 : i32
    %jit3A_112 = arith.constant 0 : i32
    %broadcast_in_dim3A_113 = vector.broadcast %jit3A_111 : i32 to vector<20x1xi32>
    %broadcast_in_dim3A_114 = vector.broadcast %jit3A_112 : i32 to vector<20x1xi32>
    %select_n3A_115 = arith.select %gt3A_110, %broadcast_in_dim3A_113, %broadcast_in_dim3A_114 : vector<20x1xi1>, vector<20x1xi32>
    %mul3A_116 = arith.muli %mul3A_106, %select_n3A_115 : vector<20x1xi32>
    %reduce_sum3A_117 = vector.shape_cast %mul3A_49 : vector<20x20xi32> to vector<1x20x20xi32>
    %reduce_sum3A_118 = arith.constant dense<0> : vector<1xi32>
    %reduce_sum3A_119 = vector.multi_reduction <add>, %reduce_sum3A_117, %reduce_sum3A_118 [1, 2] : vector<1x20x20xi32> to vector<1xi32>
    %reduce_sum3A_120 = vector.shape_cast %reduce_sum3A_119 : vector<1xi32> to vector<1x1x1xi32>
    %reduce_sum3A_121 = vector.extract %reduce_sum3A_120[0, 0, 0] : i32 from vector<1x1x1xi32>
    %reduce_sum3A_122 = vector.shape_cast %mul3A_116 : vector<20x1xi32> to vector<1x20x1xi32>
    %reduce_sum3A_123 = arith.constant dense<0> : vector<1xi32>
    %reduce_sum3A_124 = vector.multi_reduction <add>, %reduce_sum3A_122, %reduce_sum3A_123 [1, 2] : vector<1x20x1xi32> to vector<1xi32>
    %reduce_sum3A_125 = vector.shape_cast %reduce_sum3A_124 : vector<1xi32> to vector<1x1x1xi32>
    %reduce_sum3A_126 = vector.extract %reduce_sum3A_125[0, 0, 0] : i32 from vector<1x1x1xi32>
    %add3A_127 = arith.addi %reduce_sum3A_121, %reduce_sum3A_126 : i32
    %gt3A_128 = arith.constant 0 : i32
    %gt3A_129 = vector.broadcast %gt3A_128 : i32 to vector<20x20xi32>
    %gt3A_130 = arith.cmpi sgt, %reduce_sum3A_3, %gt3A_129 : vector<20x20xi32>
    %jit3A_131 = arith.constant 1 : i32
    %jit3A_132 = arith.constant 0 : i32
    %broadcast_in_dim3A_133 = vector.broadcast %jit3A_131 : i32 to vector<20x20xi32>
    %broadcast_in_dim3A_134 = vector.broadcast %jit3A_132 : i32 to vector<20x20xi32>
    %select_n3A_135 = arith.select %gt3A_130, %broadcast_in_dim3A_133, %broadcast_in_dim3A_134 : vector<20x20xi1>, vector<20x20xi32>
    %mul3A_136 = vector.broadcast %select_n3A : vector<20x1xi32> to vector<20x20xi32>
    %mul3A_137 = arith.muli %mul3A_136, %select_n3A_135 : vector<20x20xi32>
    %mul3A_138 = vector.broadcast %sub3A_31 : vector<1x20xi32> to vector<20x20xi32>
    %mul3A_139 = arith.muli %mul3A_137, %mul3A_138 : vector<20x20xi32>
    %sub3A_140 = arith.constant 1 : i32
    %sub3A_141 = vector.broadcast %sub3A_140 : i32 to vector<20x20xi32>
    %sub3A_142 = arith.subi %sub3A_141, %mul3A_66 : vector<20x20xi32>
    %mul3A_143 = arith.muli %mul3A_139, %sub3A_142 : vector<20x20xi32>
    %mul3A_144 = vector.broadcast %mul3A_106 : vector<20x1xi32> to vector<20x20xi32>
    %mul3A_145 = vector.broadcast %select_n3A_21 : vector<1x20xi32> to vector<20x20xi32>
    %mul3A_146 = arith.muli %mul3A_144, %mul3A_145 : vector<20x20xi32>
    %add3A_147 = arith.addi %mul3A_143, %mul3A_146 : vector<20x20xi32>
    %mul3A_148 = arith.constant 20 : i32
    %mul3A_149 = vector.broadcast %mul3A_148 : i32 to vector<20x1xi32>
    %mul3A_150 = arith.muli %iota3A_14, %mul3A_149 : vector<20x1xi32>
    %add3A_151 = vector.broadcast %mul3A_150 : vector<20x1xi32> to vector<20x20xi32>
    %add3A_152 = vector.broadcast %iota3A : vector<1x20xi32> to vector<20x20xi32>
    %add3A_153 = arith.addi %add3A_151, %add3A_152 : vector<20x20xi32>
    %add3A_154 = arith.constant 1 : i32
    %add3A_155 = vector.broadcast %add3A_154 : i32 to vector<20x20xi32>
    %add3A_156 = arith.addi %add3A_153, %add3A_155 : vector<20x20xi32>
    %mul3A_157 = arith.muli %add3A_147, %add3A_156 : vector<20x20xi32>
    %reduce_max3A = vector.shape_cast %mul3A_157 : vector<20x20xi32> to vector<1x20x20xi32>
    %reduce_max3A_158 = arith.constant dense<-2147483648> : vector<1xi32>
    %reduce_max3A_159 = vector.multi_reduction <maxsi>, %reduce_max3A, %reduce_max3A_158 [1, 2] : vector<1x20x20xi32> to vector<1xi32>
    %reduce_max3A_160 = vector.shape_cast %reduce_max3A_159 : vector<1xi32> to vector<1x1x1xi32>
    %reduce_max3A_161 = vector.extract %reduce_max3A_160[0, 0, 0] : i32 from vector<1x1x1xi32>
    %sub3A_162 = arith.constant 1 : i32
    %sub3A_163 = arith.subi %reduce_max3A_161, %sub3A_162 : i32
    %eq3A_164 = vector.broadcast %sub3A_163 : i32 to vector<20x20xi32>
    %eq3A_165 = arith.cmpi eq, %add3A_153, %eq3A_164 : vector<20x20xi32>
    %jit3A_166 = arith.constant 1 : i32
    %jit3A_167 = arith.constant 0 : i32
    %broadcast_in_dim3A_168 = vector.broadcast %jit3A_166 : i32 to vector<20x20xi32>
    %broadcast_in_dim3A_169 = vector.broadcast %jit3A_167 : i32 to vector<20x20xi32>
    %select_n3A_170 = arith.select %eq3A_165, %broadcast_in_dim3A_168, %broadcast_in_dim3A_169 : vector<20x20xi1>, vector<20x20xi32>
    %mul3A_171 = vector.broadcast %sub3A_31 : vector<1x20xi32> to vector<20x20xi32>
    %mul3A_172 = arith.muli %reduce_sum3A_3, %mul3A_171 : vector<20x20xi32>
    %mul3A_173 = vector.broadcast %add3A_76 : vector<20x1xi32> to vector<20x20xi32>
    %mul3A_174 = vector.broadcast %select_n3A_21 : vector<1x20xi32> to vector<20x20xi32>
    %mul3A_175 = arith.muli %mul3A_173, %mul3A_174 : vector<20x20xi32>
    %add3A_176 = arith.addi %mul3A_172, %mul3A_175 : vector<20x20xi32>
    %mul3A_177 = vector.broadcast %sub3A_31 : vector<1x20xi32> to vector<20x20xi32>
    %mul3A_178 = arith.muli %sub3A_37, %mul3A_177 : vector<20x20xi32>
    %mul3A_179 = vector.broadcast %sub3A_91 : vector<20x1xi32> to vector<20x20xi32>
    %mul3A_180 = vector.broadcast %select_n3A_21 : vector<1x20xi32> to vector<20x20xi32>
    %mul3A_181 = arith.muli %mul3A_179, %mul3A_180 : vector<20x20xi32>
    %add3A_182 = arith.addi %mul3A_178, %mul3A_181 : vector<20x20xi32>
    %mul3A_183 = arith.muli %add3A_176, %select_n3A_170 : vector<20x20xi32>
    %reduce_sum3A_184 = vector.shape_cast %mul3A_183 : vector<20x20xi32> to vector<1x20x20xi32>
    %reduce_sum3A_185 = arith.constant dense<0> : vector<1xi32>
    %reduce_sum3A_186 = vector.multi_reduction <add>, %reduce_sum3A_184, %reduce_sum3A_185 [1, 2] : vector<1x20x20xi32> to vector<1xi32>
    %reduce_sum3A_187 = vector.shape_cast %reduce_sum3A_186 : vector<1xi32> to vector<1x1x1xi32>
    %reduce_sum3A_188 = vector.extract %reduce_sum3A_187[0, 0, 0] : i32 from vector<1x1x1xi32>
    %convert_element_type3A = arith.sitofp %reduce_sum3A_188 : i32 to f32
    %mul3A_189 = arith.muli %add3A_182, %select_n3A_170 : vector<20x20xi32>
    %reduce_sum3A_190 = vector.shape_cast %mul3A_189 : vector<20x20xi32> to vector<1x20x20xi32>
    %reduce_sum3A_191 = arith.constant dense<0> : vector<1xi32>
    %reduce_sum3A_192 = vector.multi_reduction <add>, %reduce_sum3A_190, %reduce_sum3A_191 [1, 2] : vector<1x20x20xi32> to vector<1xi32>
    %reduce_sum3A_193 = vector.shape_cast %reduce_sum3A_192 : vector<1xi32> to vector<1x1x1xi32>
    %reduce_sum3A_194 = vector.extract %reduce_sum3A_193[0, 0, 0] : i32 from vector<1x1x1xi32>
    %convert_element_type3A_195 = arith.sitofp %reduce_sum3A_194 : i32 to f32
    %ge3A = arith.constant 0 : i32
    %ge3A_196 = arith.cmpi sge, %sub3A_163, %ge3A : i32
    %div3A = arith.divf %convert_element_type3A, %convert_element_type3A_195 : f32
    %jit3A_197 = arith.constant 0.000000e+00 : f32
    %select_n3A_198 = arith.select %ge3A_196, %div3A, %jit3A_197 : f32
    %mul3A_199 = vector.broadcast %mul3A_116 : vector<20x1xi32> to vector<20x20xi32>
    %mul3A_200 = vector.broadcast %select_n3A_21 : vector<1x20xi32> to vector<20x20xi32>
    %mul3A_201 = arith.muli %mul3A_199, %mul3A_200 : vector<20x20xi32>
    %add3A_202 = arith.addi %mul3A_49, %mul3A_201 : vector<20x20xi32>
    %reduce_sum3A_203 = arith.constant dense<0> : vector<20xi32>
    %reduce_sum3A_204 = vector.multi_reduction <add>, %add3A_202, %reduce_sum3A_203 [1] : vector<20x20xi32> to vector<20xi32>
    %broadcast_in_dim3A_205 = vector.shape_cast %reduce_sum3A_204 : vector<20xi32> to vector<20x1xi32>
    %gt3A_206 = arith.constant 0 : i32
    %gt3A_207 = vector.broadcast %gt3A_206 : i32 to vector<20x1xi32>
    %gt3A_208 = arith.cmpi sgt, %broadcast_in_dim3A_205, %gt3A_207 : vector<20x1xi32>
    %jit3A_209 = arith.constant 1 : i32
    %jit3A_210 = arith.constant 0 : i32
    %broadcast_in_dim3A_211 = vector.broadcast %jit3A_209 : i32 to vector<20x1xi32>
    %broadcast_in_dim3A_212 = vector.broadcast %jit3A_210 : i32 to vector<20x1xi32>
    %select_n3A_213 = arith.select %gt3A_208, %broadcast_in_dim3A_211, %broadcast_in_dim3A_212 : vector<20x1xi1>, vector<20x1xi32>
    %gt3A_214 = arith.constant 0 : i32
    %gt3A_215 = vector.broadcast %gt3A_214 : i32 to vector<20x1xi32>
    %gt3A_216 = arith.cmpi sgt, %broadcast_in_dim3A, %gt3A_215 : vector<20x1xi32>
    %jit3A_217 = arith.constant 1 : i32
    %jit3A_218 = arith.constant 0 : i32
    %broadcast_in_dim3A_219 = vector.broadcast %jit3A_217 : i32 to vector<20x1xi32>
    %broadcast_in_dim3A_220 = vector.broadcast %jit3A_218 : i32 to vector<20x1xi32>
    %select_n3A_221 = arith.select %gt3A_216, %broadcast_in_dim3A_219, %broadcast_in_dim3A_220 : vector<20x1xi1>, vector<20x1xi32>
    %sub3A_222 = arith.constant 1 : i32
    %sub3A_223 = vector.broadcast %sub3A_222 : i32 to vector<20x1xi32>
    %sub3A_224 = arith.subi %sub3A_223, %select_n3A_213 : vector<20x1xi32>
    %mul3A_225 = arith.muli %select_n3A_221, %sub3A_224 : vector<20x1xi32>
    %mul3A_226 = arith.muli %mul3A_225, %sub3A_34 : vector<20x1xi32>
    %reduce_sum3A_227 = vector.shape_cast %mul3A_226 : vector<20x1xi32> to vector<1x20x1xi32>
    %reduce_sum3A_228 = arith.constant dense<0> : vector<1xi32>
    %reduce_sum3A_229 = vector.multi_reduction <add>, %reduce_sum3A_227, %reduce_sum3A_228 [1, 2] : vector<1x20x1xi32> to vector<1xi32>
    %reduce_sum3A_230 = vector.shape_cast %reduce_sum3A_229 : vector<1xi32> to vector<1x1x1xi32>
    %reduce_sum3A_231 = vector.extract %reduce_sum3A_230[0, 0, 0] : i32 from vector<1x1x1xi32>
    %mul3A_232 = arith.muli %broadcast_in_dim3A, %select_n3A_29 : vector<20x1xi32>
    %reduce_sum3A_233 = vector.shape_cast %mul3A_232 : vector<20x1xi32> to vector<1x20x1xi32>
    %reduce_sum3A_234 = arith.constant dense<0> : vector<1xi32>
    %reduce_sum3A_235 = vector.multi_reduction <add>, %reduce_sum3A_233, %reduce_sum3A_234 [1, 2] : vector<1x20x1xi32> to vector<1xi32>
    %reduce_sum3A_236 = vector.shape_cast %reduce_sum3A_235 : vector<1xi32> to vector<1x1x1xi32>
    %reduce_sum3A_237 = vector.extract %reduce_sum3A_236[0, 0, 0] : i32 from vector<1x1x1xi32>
    %mul3A_238 = arith.muli %broadcast_in_dim3A, %select_n3A_213 : vector<20x1xi32>
    %mul3A_239 = arith.muli %mul3A_238, %sub3A_34 : vector<20x1xi32>
    %reduce_sum3A_240 = vector.shape_cast %mul3A_239 : vector<20x1xi32> to vector<1x20x1xi32>
    %reduce_sum3A_241 = arith.constant dense<0> : vector<1xi32>
    %reduce_sum3A_242 = vector.multi_reduction <add>, %reduce_sum3A_240, %reduce_sum3A_241 [1, 2] : vector<1x20x1xi32> to vector<1xi32>
    %reduce_sum3A_243 = vector.shape_cast %reduce_sum3A_242 : vector<1xi32> to vector<1x1x1xi32>
    %reduce_sum3A_244 = vector.extract %reduce_sum3A_243[0, 0, 0] : i32 from vector<1x1x1xi32>
    %add3A_245 = arith.addi %reduce_sum3A_237, %reduce_sum3A_244 : i32
    %gt3A_246 = arith.constant 0 : i32
    %gt3A_247 = arith.cmpi sgt, %add3A_245, %gt3A_246 : i32
    %jit3A_248 = arith.constant 1 : i32
    %jit3A_249 = arith.constant 0 : i32
    %select_n3A_250 = arith.select %gt3A_247, %jit3A_248, %jit3A_249 : i32
    %add3A_251 = arith.addi %reduce_sum3A_231, %select_n3A_250 : i32
    %gt3A_252 = arith.constant 0 : i32
    %gt3A_253 = vector.broadcast %gt3A_252 : i32 to vector<1x20xi32>
    %gt3A_254 = arith.cmpi sgt, %broadcast_in_dim3A_8, %gt3A_253 : vector<1x20xi32>
    %jit3A_255 = arith.constant 1 : i32
    %jit3A_256 = arith.constant 0 : i32
    %broadcast_in_dim3A_257 = vector.broadcast %jit3A_255 : i32 to vector<1x20xi32>
    %broadcast_in_dim3A_258 = vector.broadcast %jit3A_256 : i32 to vector<1x20xi32>
    %select_n3A_259 = arith.select %gt3A_254, %broadcast_in_dim3A_257, %broadcast_in_dim3A_258 : vector<1x20xi1>, vector<1x20xi32>
    %sub3A_260 = arith.constant 1 : i32
    %sub3A_261 = vector.broadcast %sub3A_260 : i32 to vector<1x20xi32>
    %sub3A_262 = arith.subi %sub3A_261, %broadcast_in_dim3A_52 : vector<1x20xi32>
    %mul3A_263 = arith.muli %select_n3A_259, %sub3A_262 : vector<1x20xi32>
    %mul3A_264 = arith.muli %mul3A_263, %sub3A_31 : vector<1x20xi32>
    %reduce_sum3A_265 = vector.shape_cast %mul3A_264 : vector<1x20xi32> to vector<1x1x20xi32>
    %reduce_sum3A_266 = arith.constant dense<0> : vector<1xi32>
    %reduce_sum3A_267 = vector.multi_reduction <add>, %reduce_sum3A_265, %reduce_sum3A_266 [1, 2] : vector<1x1x20xi32> to vector<1xi32>
    %reduce_sum3A_268 = vector.shape_cast %reduce_sum3A_267 : vector<1xi32> to vector<1x1x1xi32>
    %reduce_sum3A_269 = vector.extract %reduce_sum3A_268[0, 0, 0] : i32 from vector<1x1x1xi32>
    %mul3A_270 = arith.muli %broadcast_in_dim3A_8, %broadcast_in_dim3A_52 : vector<1x20xi32>
    %mul3A_271 = arith.muli %mul3A_270, %sub3A_31 : vector<1x20xi32>
    %reduce_sum3A_272 = vector.shape_cast %mul3A_271 : vector<1x20xi32> to vector<1x1x20xi32>
    %reduce_sum3A_273 = arith.constant dense<0> : vector<1xi32>
    %reduce_sum3A_274 = vector.multi_reduction <add>, %reduce_sum3A_272, %reduce_sum3A_273 [1, 2] : vector<1x1x20xi32> to vector<1xi32>
    %reduce_sum3A_275 = vector.shape_cast %reduce_sum3A_274 : vector<1xi32> to vector<1x1x1xi32>
    %reduce_sum3A_276 = vector.extract %reduce_sum3A_275[0, 0, 0] : i32 from vector<1x1x1xi32>
    %add3A_277 = arith.addi %reduce_sum3A_82, %reduce_sum3A_276 : i32
    %gt3A_278 = arith.constant 0 : i32
    %gt3A_279 = arith.cmpi sgt, %add3A_277, %gt3A_278 : i32
    %jit3A_280 = arith.constant 1 : i32
    %jit3A_281 = arith.constant 0 : i32
    %select_n3A_282 = arith.select %gt3A_279, %jit3A_280, %jit3A_281 : i32
    %add3A_283 = arith.addi %reduce_sum3A_269, %select_n3A_282 : i32
    %convert_element_type3A_284 = arith.sitofp %add3A_127 : i32 to f32
    %add3A_285 = arith.addi %add3A_251, %add3A_283 : i32
    %convert_element_type3A_286 = arith.sitofp %add3A_285 : i32 to f32
    %mul3A_287 = arith.constant 5.000000e-01 : f32
    %mul3A_288 = arith.mulf %mul3A_287, %convert_element_type3A_286 : f32
    %add3A_289 = arith.addf %convert_element_type3A_284, %mul3A_288 : f32
    %div3A_290 = arith.divf %select_n3A_198, %add3A_289 : f32
    %broadcast_in_dim3A_291 = vector.broadcast %div3A_290 : f32 to vector<1x1xf32>
    %swap3A = arith.constant 0 : index
    %swap3A_292 = arith.constant 0 : index
    %swap3A_293 = vector.load %arg1[%swap3A, %swap3A_292] : memref<1x1xf32, #tpu.memory_space<vmem>>, vector<1x1xf32>
    tpu.vector_store %arg1[%swap3A, %swap3A_292], %broadcast_in_dim3A_291 {strides = array<i32>} : memref<1x1xf32, #tpu.memory_space<vmem>>, vector<1x1xf32>,
    return
  }
}

</mosaic_0001>

<sc_bundles>
// kernel: kernel.4.cloned.1.call-start
scs
__scs_entry_jumppad:
0x0: {  	(pc) =	sbr.rel $0x88, $3  }
0x1: {  	(tag) =	ssettag $0x0;
	lr =	simm.s32 $0x1  }
0x2: {  	[smem:$0x3F9F] =	sst lr;
	_ =	strace $0xD0000000  }
0x3: {  	_ = 	snop  }
0x4: {  	_ = 	snop  }
0x5: {  	_ = 	snop  }
0x6: {  	_ = 	snop  }
0x7: {  	_ = 	snop  }
__scs_overlays_trampoline_lowered:
0x8: {  	[smem:$0x3FAE] =	sst s0  }
0x9: {  	[smem:$0x3FAF] =	sst s1  }
0xa: {  	[smem:$0x3FB0] =	sst s2  }
0xb: {  	[smem:$0x3FB1] =	sst s3  }
0xc: {  	[smem:$0x3FB2] =	sst s4  }
0xd: {  	[smem:$0x3FB3] =	sst s5  }
0xe: {  	[smem:$0x3FB4] =	sst s6  }
0xf: {  	[smem:$0x3FB5] =	sst s7  }
0x10: {  	[smem:$0x3FB6] =	sst s8  }
0x11: {  	[smem:$0x3FB7] =	sst s9;
	s0 =	simm.s32 @!p0 $0x0  }
0x12: {  	s1 =	sld [smem:$0x3F9D];
	s0 =	simm.s32 @p0 $0x1  }
0x13: {  	[smem:$0x3FB8] =	sst s0;
	s0 =	simm.s32 @!p1 $0x0  }
0x14: {  	s2 =	sld [smem:$0x3F9C];
	s0 =	simm.s32 @p1 $0x1  }
0x15: {  	[smem:$0x3FB9] =	sst s0;
	s0 =	simm.s32 @!p2 $0x0  }
0x16: {  	s3 =	sld [smem:$0x3FDB];
	s0 =	simm.s32 @p2 $0x1  }
0x17: {  	s4 =	simm.s32 $0x1BF5;
	[smem:$0x3FBB] =	sst s0  }
0x18: {  	s0 =	sld [smem:$0x3F9E];
	_ =	swait.ge [sflag:s4], $0x0  }
0x19: {  	s7 =	sld [smem:$0x3F9F]  }
0x1a: {  	s8 =	sadd.s32 $0xFFFFE003, lr  }
0x1b: {  	s9 =	sadd.s32 $0xFFFFFEF7, lr;
	s5 =	simm.s32 $0xFFFFFFFF;
	p2 =	slt.u32 s8, $0xFFFFF086  }
0x1c: {  	p1 =	slt.u32 s9, $0xF7A;
	s5 =	simm.s32 @!p2 $0x0  }
0x1d: {  	s5 =	simm.s32 @p1 $0x1;
	p0 =	seq.s32 s7, s2  }
0x1e: {  	s7 =	smul.u32 @!p0 $0xF7A, s2;
	p2 =	seq.s32 @!p0 s5, $0x0  }
0x1f: {  	s9 =	smul.u32 $0xF7A, s1;
	s8 =	simm.s32 @!p0 $0x1BF5;
	p2 =	por !p2, p0  }
0x20: {  	[sflag:s8] =	ssyncset.s32 @!p0 $0xFFFFF086;
	s6 =	sadd.s32 @!p0 s3, s7;
	s7 =	simm.s32 @!p0 $0x108  }
0x21: {  	s3 =	sadd.s32 s3, s9;
	s6 =	sadd.s32 @!p0 $0x88, s6;
	s7 =	simm.s32 @p2 $0x1082  }
0x22: {  	[simem:s7], [sflag:s8] =	dma.local @!p0 [hbm:s6], $0xF7A  }
0x23: {  	s9 =	sor.u32 $0xD0000000, s2;
	s6 =	simm.s32 $0x108;
	_ =	swait.ge @!p0 [sflag:s8], $0x0  }
0x24: {  	s3 =	sadd.s32 $0x88, s3;
	s6 =	simm.s32 @!p1 $0x1082;
	[sflag:s4] =	ssyncset.s32 $0xFFFFF086  }
0x25: {  	[simem:s6], [sflag:s4] =	dma.local [hbm:s3], $0xF7A  }
0x26: {  	[smem:$0x3F9F] =	sst s1;
	(tag) =	ssettag s2;
	_ =	strace s9  }
0x27: {  	s1 =	sld [smem:$0x3FAF]  }
0x28: {  	s2 =	sld [smem:$0x3FB0]  }
0x29: {  	s4 =	sld [smem:$0x3FB2]  }
0x2a: {  	p0 =	seq.s32 s5, $0x0;
	s5 =	sld [smem:$0x3FB3]  }
0x2b: {  	s6 =	sld [smem:$0x3FB4]  }
0x2c: {  	s7 =	sld [smem:$0x3FB5]  }
0x2d: {  	s3 =	simm.s32 $0x108;
	s8 =	sld [smem:$0x3FB6]  }
0x2e: {  	s3 =	simm.s32 @!p0 $0x1082;
	s9 =	sld [smem:$0x3FB7]  }
0x2f: {  	lr =	sadd.s32 s0, s3;
	s0 =	sld [smem:$0x3FAE]  }
0x30: {  	s3 =	sld [smem:$0x3FB1]  }
0x31: {  	[smem:$0x3FBA] =	sst s10  }
0x32: {  	s10 =	sld [smem:$0x3FB8];
	_ =	sdelay $0x3  }
0x33: {  	p0 =	seq.s32 s10, $0x1;
	s10 =	sld [smem:$0x3FBA];
	_ =	sdelay $0x3  }
0x34: {  	[smem:$0x3FBA] =	sst s10  }
0x35: {  	s10 =	sld [smem:$0x3FB9];
	_ =	sdelay $0x3  }
0x36: {  	p1 =	seq.s32 s10, $0x1;
	s10 =	sld [smem:$0x3FBA];
	_ =	sdelay $0x3  }
0x37: {  	[smem:$0x3FBA] =	sst s10  }
0x38: {  	s10 =	sld [smem:$0x3FBB]  }
0x39: {  	_ = 	snop;
	(pc) =	sbr.ind lr, $3  }
0x3a: {  	_ = 	snop  }
0x3b: {  	_ = 	snop  }
0x3c: {  	p2 =	seq.s32 s10, $0x1;
	s10 =	sld [smem:$0x3FBA]  }
0x3d: {  	_ =	shalt  }
0x3e: {  	_ =	shalt  }
0x3f: {  	_ =	shalt  }
0x40: {  	_ =	shalt  }
0x41: {  	_ =	shalt  }
0x42: {  	_ =	shalt  }
0x43: {  	_ =	shalt  }
0x44: {  	_ =	shalt  }
0x45: {  	_ =	shalt  }
0x46: {  	_ =	shalt  }
0x47: {  	_ =	shalt  }
0x48: {  	_ =	shalt  }
0x49: {  	_ =	shalt  }
0x4a: {  	_ =	shalt  }
0x4b: {  	_ =	shalt  }
0x4c: {  	_ =	shalt  }
0x4d: {  	_ =	shalt  }
0x4e: {  	_ =	shalt  }
0x4f: {  	_ =	shalt  }
0x50: {  	_ =	shalt  }
0x51: {  	_ =	shalt  }
0x52: {  	_ =	shalt  }
0x53: {  	_ =	shalt  }
0x54: {  	_ =	shalt  }
0x55: {  	_ =	shalt  }
0x56: {  	_ =	shalt  }
0x57: {  	_ =	shalt  }
0x58: {  	_ =	shalt  }
0x59: {  	_ =	shalt  }
0x5a: {  	_ =	shalt  }
0x5b: {  	_ =	shalt  }
0x5c: {  	_ =	shalt  }
0x5d: {  	_ =	shalt  }
0x5e: {  	_ =	shalt  }
0x5f: {  	_ =	shalt  }
0x60: {  	_ =	shalt  }
0x61: {  	_ =	shalt  }
0x62: {  	_ =	shalt  }
0x63: {  	_ =	shalt  }
0x64: {  	_ =	shalt  }
0x65: {  	_ =	shalt  }
0x66: {  	_ =	shalt  }
0x67: {  	_ =	shalt  }
0x68: {  	_ =	shalt  }
0x69: {  	_ =	shalt  }
0x6a: {  	_ =	shalt  }
0x6b: {  	_ =	shalt  }
0x6c: {  	_ =	shalt  }
0x6d: {  	_ =	shalt  }
0x6e: {  	_ =	shalt  }
0x6f: {  	_ =	shalt  }
0x70: {  	_ =	shalt  }
0x71: {  	_ =	shalt  }
0x72: {  	_ =	shalt  }
0x73: {  	_ =	shalt  }
0x74: {  	_ =	shalt  }
0x75: {  	_ =	shalt  }
0x76: {  	_ =	shalt  }
0x77: {  	_ =	shalt  }
0x78: {  	_ =	shalt  }
0x79: {  	_ =	shalt  }
0x7a: {  	_ =	shalt  }
0x7b: {  	_ =	shalt  }
0x7c: {  	_ =	shalt  }
0x7d: {  	_ =	shalt  }
0x7e: {  	_ =	shalt  }
0x7f: {  	_ =	shalt  }
0x80: {  	_ =	shalt  }
0x81: {  	_ =	shalt  }
0x82: {  	_ =	shalt  }
0x83: {  	_ =	shalt  }
0x84: {  	_ =	shalt  }
0x85: {  	_ =	shalt  }
0x86: {  	_ =	shalt  }
0x87: {  	_ =	shalt  }
.Lfunc_end0:
.L_simem_size_0:
called_computation_lowered:
.L_overlay_start_0:
0x88: {  	s2 =	sld [smem:$0x3FD9]  }
0x89: {  	s3 =	sld [smem:$0x3FFE];
	_ =	sdelay $0x1  }
0x8a: {  	s1 =	srdreg.scid  }
0x8b: {  	s0 =	sand.u32 $0x1, s1  }
0x8c: {  	s17 =	sshll.u32 s0, $0xA;
	s2 =	sadd.s32 s3, s2  }
0x8d: {  	s2 =	sadd.s32 s2, s17  }
0x8e: {  	[smem:$0x3FC6] =	sst s2  }
0x8f: {  	_ = 	snop  }
0x90: {  	s2 =	sld [smem:$0x3FC9]  }
0x91: {  	s18 =	sld [smem:$0x3FC8];
	(tm) =	ssettm $0x1  }
0x92: {  	s4 =	sld [smem:$0x3FFB];
	_ =	sdelay $0x3  }
0x93: {  	_ =	strace s4  }
0x94: {  	s4 =	sld [smem:$0x3FFC];
	_ =	sdelay $0x3  }
0x95: {  	_ =	strace s4  }
0x96: {  	s4 =	sld [smem:$0x3FFD];
	_ =	sdelay $0x3  }
0x97: {  	_ =	strace s4  }
0x98: {  	_ =	strace $0x8FFFFFFF  }
0x99: {  	s19 =	sld [smem:$0x3FDB];
	_ =	sdelay $0x1  }
0x9a: {  	s5 =	simm.s32 $_scs_section_size  }
0x9b: {  	s6 =	simm.s32 $_size__tile_overlayer_lowered;
	s7 =	simm.s32 $_tile_overlayer_lowered  }
0x9c: {  	s22 =	simm.s32 $0x1BFF;
	s21 =	sshll.u32 s7, $0x1;
	s4 =	sadd.s32 s5, s19  }
0x9d: {  	s8 =	simm.s32 $0x0;
	s20 =	sshll.u32 s6, $0x1;
	s6 =	sadd.s32 s21, s4  }
0x9e: {  	[timem:s8], [sflag:s22] =	dma.local [hbm:s6], s20  }
0x9f: {  	_ =	swait.ge [sflag:s22], s20  }
0xa0: {  	s5 =	ssub.s32 $0x0, s20;
	[sflag:s22] =	ssyncset.done $0x0  }
0xa1: {  	[sflag:s22] =	ssyncadd.s32 s5;
	_ =	sdelay $0x1  }
0xa2: {  	s23 =	simm.s32 $0x1B8B  }
0xa3: {  	_ =	swait.ge [sflag:s23], $0x1  }
0xa4: {  	[sflag:s23] =	ssyncset.done $0x0  }
0xa5: {  	s25 =	simm.s32 $0x1B8E;
	s24 =	sld [smem:$0x3FFE];
	[sflag:s23] =	ssyncadd.s32 $0xFFFFFFFF  }
0xa6: {  	s26 =	simm.s32 $execute0_lowered;
	[smem:$0x3FD2] =	sst s25  }
0xa7: {  	s6 =	sshll.u32 s26, $0x1;
	_ =	strace $0x80000046;
	[dreg:$0x1] =	wrdreg $0xFFFFFFFF  }
0xa8: {  	s28 =	simm.s32 $_size_execute0_lowered;
	s4 =	sadd.s32 s4, s6;
	[dreg:$0x0] =	wrdreg $0x0  }
0xa9: {  	s6 =	sshll.u32 s28, $0x1;
	[dreg:$0x2] =	wrdreg s4  }
0xaa: {  	[dreg:$0x3] =	wrdreg s6  }
0xab: {  	[dreg:$0x4] =	wrdreg $0xC0  }
0xac: {  	_ =	task [dreg:s8], $0x5FFFF  }
0xad: {  	[dreg:$0x1] =	wrdreg $0xFFFFFFFF  }
0xae: {  	[dreg:$0x0] =	wrdreg $0x60  }
0xaf: {  	[dreg:$0x2] =	wrdreg s2  }
0xb0: {  	[dreg:$0x3] =	wrdreg s18  }
0xb1: {  	[dreg:$0x4] =	wrdreg s24  }
0xb2: {  	[dreg:$0x5] =	wrdreg $0x9  }
0xb3: {  	_ =	task.clear_ibuf [dreg:s8], $0x6FFFF;
	_ =	strace $0x90000046  }
0xb4: {  	s29 =	simm.s32 $0x9;
	_ =	strace $0x80000048  }
0xb5: {  	_ =	swait.ge [sflag:s29], $0x1  }
0xb6: {  	[sflag:s29] =	ssyncadd.s32 $0xFFFFFFFF  }
0xb7: {  	_ =	strace $0x90000048  }
0xb8: {  	_ =	sfence  }
0xb9: {  	s30 =	sld [smem:$0x0];
	_ =	sdelay $0x2  }
0xba: {  	s31 =	sshll.u32 s1, $0xD;
	s1 =	sshrl.u32 s1, $0x2  }
0xbb: {  	s3 =	sand.u32 $0x4000, s31;
	s1 =	sadd.s32 s1, s30  }
0xbc: {  	s0 =	sor.u32 s3, s0;
	s1 =	sshll.u32 s1, $0x11  }
0xbd: {  	s0 =	sor.u32 s1, s0  }
0xbe: {  	s0 =	sadd.s32 $0x8F2B, s0  }
0xbf: {  	[sflag:s0] =	ssyncadd.remote.s32 $0x1  }
0xc0: {  	_ =	sfence.sel $0xFFFF  }
0xc1: {  	[dreg:$0x0] =	wrdreg $0xFFFFFFFF;
	(pc) =	sbr.abs _section_cstart, $3  }
0xc2: {  	[dreg:$0x1] =	wrdreg $0xFFFFFFFF  }
0xc3: {  	_ =	task.clear_ibuf [dreg:s8], $0x2FFFF;
	_ =	strace $0x9FFFFFFF  }
0xc4: {  	(tm) =	ssettm $0x7FFFFFFF  }
0xc5: {  	_ =	shalt  }
tec
execute0_lowered:
.L_overlay_start_1:
0x0: {  	(tag) =	ssettag $0x1  }
0x1: {  	s0 =	rddreg [dreg:$0x0]  }
0x2: {  	s1 =	rddreg [dreg:$0x1]  }
0x3: {  	s2 =	srdreg.scid;
	s5 =	stileid.u32  }
0x4: {  	s3 =	rddreg [dreg:$0x2];
	s14 =	simm.s32 $0x1;
	s15 =	simm.s32 $0x3  }
0x5: {  	s16 =	simm.s32 $0x6000;
	s18 =	simm.s32 $0x8000;
	s19 =	simm.s32 $0x2  }
0x6: {  	s20 =	simm.s32 $0x4;
	s21 =	simm.s32 $0xA400;
	s22 =	simm.s32 $0x5  }
0x7: {  	s23 =	simm.s32 $0x0;
	s4 =	sand.u32 $0x1, s2;
	s5 =	sshll.u32 s5, $0x1  }
0x8: {  	s2 =	simm.s32 $0x0;
	s5 =	sor.u32 s4, s5;
	s4 =	ssub.s32 $0x2, s4  }
0x9: {  	[smem:$0x7FF] =	sst s2;
	s6 =	smul.u32 $0x180, s5;
	s7 =	sshrl.u32 s4, $0x1  }
0xa: {  	_ =	strace $0x80000047;
	s9 =	sshll.u32 s5, $0xC;
	s12 =	ssub.s32 s4, s7  }
0xb: {  	s29 =	sadd.s32 s0, s9;
	s30 =	sadd.s32 s1, s9;
	s31 =	sor.u32 $0x400, s9  }
0xc: {  	s8 =	sor.u32 $0x800, s9;
	s10 =	sor.u32 $0xC00, s9;
	[dreg:$0x4] =	wrdreg s29  }
0xd: {  	vm0 =	vcmask $0x3F3C;
	s4 =	simm.s32 $0x2000;
	s11 =	sadd.s32 s6, s3;
	[dreg:$0x5] =	wrdreg s30  }
0xe: {  	s5 =	sadd.s32 s0, s31;
	s6 =	sadd.s32 s1, s31;
	s7 =	sadd.s32 s0, s8  }
0xf: {  	s8 =	sadd.s32 s1, s8;
	s9 =	sadd.s32 s0, s10;
	s10 =	sadd.s32 s1, s10  }
0x10: {  	v0 =	vimm.s32 $0x0;
	v1 =	vlaneseq.u32;
	v2 =	vimm.s32 $0x1;
	s12 =	smax.u32 s12, $0x1;
	s3 =	simm.s32 $0x4000;
	s11 =	sadd.s32 $0x600, s11  }
.LBB2_1:
0x11: {  	s0 =	rddreg [dreg:$0x4]  }
0x12: {  	[tilespmem:s2], [sflag:$0x1] =	stream.linear.gather [hbm4b:s0+s2], $0x2000, $0x38;
	[tilespmem:$0xB000] =	vst v63  }
0x13: {  	s31 =	rddreg [dreg:$0x5];
	s0 =	simm.s32 $0x0  }
0x14: {  	[tilespmem:s3], [sflag:$0x3] =	stream.linear.gather [hbm4b:s31+s2], $0x2000, $0x38;
	[tilespmem:$0xB000] =	vst v63  }
.LBB2_2:
0x15: {  	s1 =	sshrl.u32 s0, $0x3  }
0x16: {  	s25 =	sshll.u32 s0, $0x7;
	s1 =	smul.u32 $0x3000, s1  }
0x17: {  	s25 =	sand.u32 $0x380, s25  }
0x18: {  	v3 =	vmov s25;
	s13 =	sshra.s32 s1, $0x2;
	s1 =	simm.s32 $0x0  }
0x19: {  	s24 =	sadd.s32 $0x8000, s13;
	s31 =	sand.u32 $0xC00, s1  }
0x1a: {  	s28 =	sand.u32 $0x40, s1;
	s13 =	sadd.s32 s31, s24  }
0x1b: {  	s26 =	simm.s32 $0x0;
	s25 =	sadd.s32 s28, s13;
	s28 =	simm.s32 $0x0  }
.LBB2_3:
0x1c: {  	s26 =	sadd.s32 $0x4, s26  }
0x1d: {  	[tilespmem:v3+s25+$0x30 ss:$0x1] =	vst.idx.msk $0xffff, v0;
	s1 =	sadd.s32 $0x200, s1;
	s28 =	sadd.s32 $0x40, s28;
	p0 =	slt.u32 s26, $0x10  }
.Ltmp0:
0x1e: {  	[tilespmem:v3+s25+$0x20 ss:$0x1] =	vst.idx.msk $0xffff, v0;
	(pc) =	sbr.rel @p0 .LBB2_3-.Ltmp0, $4  }
0x1f: {  	[tilespmem:v3+s25+$0x0 ss:$0x1] =	vst.idx.msk $0xffff, v0  }
0x20: {  	s13 =	sand.u32 $0xC00, s1;
	[tilespmem:v3+s25+$0x10 ss:$0x1] =	vst.idx.msk $0xffff, v0  }
0x21: {  	s13 =	sadd.s32 s13, s24;
	s25 =	sand.u32 $0x40, s28  }
0x22: {  	s25 =	sadd.s32 s25, s13  }
0x23: {  	_ = 	snop  }
0x24: {  	s0 =	sadd.s32 $0x1, s0  }
0x25: {  	p0 =	sne.s32 s0, $0x14  }
.Ltmp1:
0x26: {  	_ = 	snop;
	(pc) =	sbr.rel @p0 .LBB2_2-.Ltmp1, $4  }
0x27: {  	[tilespmem:v3+s25+$0x30 ss:$0x1] =	vst.idx.msk $0xffff, v0  }
0x28: {  	[tilespmem:v3+s25+$0x20 ss:$0x1] =	vst.idx.msk $0xffff, v0  }
0x29: {  	[tilespmem:v3+s25+$0x0 ss:$0x1] =	vst.idx.msk $0xffff, v0  }
0x2a: {  	[tilespmem:v3+s25+$0x10 ss:$0x1] =	vst.idx.msk $0xffff, v0  }
0x2b: {  	_ =	swait.ge [sflag:s14], $0x2000  }
0x2c: {  	[sflag:s14] =	ssyncset.done $0x0  }
0x2d: {  	[sflag:s14] =	ssyncadd.s32 $0xFFFFE000  }
0x2e: {  	_ =	swait.ge [sflag:s15], $0x2000  }
0x2f: {  	[sflag:s15] =	ssyncset.done $0x0  }
0x30: {  	s24 =	simm.s32 $0x0;
	[sflag:s15] =	ssyncadd.s32 $0xFFFFE000  }
0x31: {  	[tilespmem:s4], [sflag:$0x2] =	stream.linear.gather [hbm4b:s5+s24], $0x2000, $0x38;
	[tilespmem:$0xB000] =	vst v63  }
0x32: {  	s25 =	simm.s32 $0x40;
	s26 =	simm.s32 $0x4040  }
0x33: {  	[tilespmem:s16], [sflag:$0x4] =	stream.linear.gather [hbm4b:s6+s24], $0x2000, $0x38;
	[tilespmem:$0xB000] =	vst v63  }
.LBB2_6:
0x34: {  	v3 =	vld [tilespmem:s25+$0x30]  }
0x35: {  	v4 =	vld [tilespmem:s26+$0x30]  }
0x36: {  	v5 =	vld [tilespmem:s25+$0xFFFFFFD0]  }
0x37: {  	v6 =	vld [tilespmem:s25+$0xFFFFFFE0]  }
0x38: {  	v7 =	vld [tilespmem:s25+$0xFFFFFFF0]  }
0x39: {  	v10 =	vld [tilespmem:s25+$0x10]  }
0x3a: {  	v12 =	vld [tilespmem:s25+$0x20]  }
0x3b: {  	v13 =	vld [tilespmem:s25+$0xFFFFFFC0]  }
0x3c: {  	v19 =	vld [tilespmem:s26+$0xFFFFFFF0]  }
0x3d: {  	v22 =	vld [tilespmem:s26+$0x0]  }
0x3e: {  	v24 =	vld [tilespmem:s26+$0x10]  }
0x3f: {  	v9 =	vshrl.u32 v3, $0x3;
	v11 =	vshll.u32 v4, $0x7;
	v4 =	vshll.u32 v4, $0x4  }
0x40: {  	v27 =	vld [tilespmem:s26+$0x20];
	v3 =	vshll.u32 v3, $0x7;
	v14 =	vshrl.u32 v5, $0x3;
	v15 =	vshrl.u32 v6, $0x3  }
0x41: {  	v16 =	vshrl.u32 v7, $0x3;
	v18 =	vshrl.u32 v10, $0x3;
	v20 =	vshrl.u32 v12, $0x3  }
0x42: {  	v21 =	vshrl.u32 v13, $0x3;
	v13 =	vshll.u32 v13, $0x7;
	v28 =	vshll.u32 v19, $0x7  }
0x43: {  	v29 =	vshll.u32 v5, $0x7;
	v58 =	vshll.u32 v22, $0x7;
	v59 =	vshll.u32 v24, $0x7  }
0x44: {  	v31 =	vshll.u32 v6, $0x7;
	v19 =	vshll.u32 v19, $0x4;
	v32 =	vshll.u32 v7, $0x7  }
0x45: {  	v22 =	vshll.u32 v22, $0x4;
	v6 =	vshll.u32 v27, $0x7;
	v33 =	vshll.u32 v10, $0x7  }
0x46: {  	v27 =	vshll.u32 v27, $0x4;
	v34 =	vshll.u32 v12, $0x7;
	v9 =	vmul.u32 $0xC00, v9  }
0x47: {  	v11 =	vand.u32 $0xFFFFFC00, v11;
	v4 =	vor.u32 v1, v4;
	v3 =	vand.u32 $0x380, v3  }
0x48: {  	v15 =	vmul.u32 $0xC00, v15;
	v16 =	vmul.u32 $0xC00, v16;
	v18 =	vmul.u32 $0xC00, v18  }
0x49: {  	v8 =	vld [tilespmem:s25+$0x0];
	v21 =	vmul.u32 $0xC00, v21;
	v20 =	vmul.u32 $0xC00, v20;
	v5 =	vand.u32 $0xFFFFFC00, v28  }
0x4a: {  	v28 =	vand.u32 $0xFFFFFC00, v59;
	v60 =	vand.u32 $0xFFFFFC00, v6;
	v9 =	vadd.s32 v9, v11;
	v11 =	vld [tilespmem:s26+$0xFFFFFFC0]  }
0x4b: {  	v61 =	vand.u32 $0x380, v13;
	v62 =	vand.u32 $0x380, v29;
	v63 =	vand.u32 $0x380, v31  }
0x4c: {  	v10 =	vor.u32 v1, v19;
	v4 =	vand.u32 $0x7F, v4;
	v3 =	vor.u32 v3, v9;
	v9 =	vld [tilespmem:s26+$0xFFFFFFD0]  }
0x4d: {  	v13 =	vor.u32 v1, v22;
	v19 =	vand.u32 $0x380, v33;
	v17 =	vor.u32 v4, v3;
	v4 =	vld [tilespmem:s26+$0xFFFFFFE0]  }
0x4e: {  	v6 =	vadd.s32 v16, v5;
	v16 =	vand.u32 $0x380, v32;
	v3 =	vmul.u32 $0xC00, v14  }
0x4f: {  	v14 =	vshrl.u32 v8, $0x3;
	v8 =	vshll.u32 v8, $0x7;
	v23 =	vshll.u32 v11, $0x7  }
0x50: {  	v14 =	vmul.u32 $0xC00, v14;
	v11 =	vshll.u32 v11, $0x4;
	v23 =	vand.u32 $0xFFFFFC00, v23  }
0x51: {  	v25 =	vshll.u32 v9, $0x7;
	v9 =	vshll.u32 v9, $0x4;
	v7 =	vor.u32 v1, v11  }
0x52: {  	v11 =	vor.u32 v1, v27;
	v25 =	vand.u32 $0xFFFFFC00, v25;
	v26 =	vshll.u32 v4, $0x7  }
0x53: {  	v30 =	vshll.u32 v4, $0x4;
	v4 =	vand.u32 $0xFFFFFC00, v58;
	v21 =	vadd.s32 v21, v23  }
0x54: {  	v23 =	vshll.u32 v24, $0x4;
	v12 =	vor.u32 v1, v9;
	v26 =	vand.u32 $0xFFFFFC00, v26  }
0x55: {  	v25 =	vadd.s32 v3, v25;
	v5 =	vadd.s32 v14, v4;
	v4 =	vadd.s32 v18, v28  }
0x56: {  	v3 =	vadd.s32 v20, v60;
	v9 =	vor.u32 v1, v30;
	v18 =	vand.u32 $0x380, v8  }
0x57: {  	[tilespmem:v17+s18+$0x0] =	vst.idx.add.s32.msk $0xffff, v2;
	v8 =	vor.u32 v1, v23;
	v14 =	vand.u32 $0x380, v34;
	v15 =	vadd.s32 v15, v26  }
0x58: {  	s28 =	simm.s32 $0x0;
	s29 =	sadd.s32 $0x400, s25;
	s30 =	smov.u32 s26;
	v20 =	vor.u32 v61, v21;
	v17 =	vor.u32 v62, v25;
	v15 =	vor.u32 v63, v15  }
.LBB2_7:
0x59: {  	v21 =	vld [tilespmem:s29+$0x30];
	s28 =	sadd.s32 $0x8, s28;
	v6 =	vor.u32 v16, v6;
	v5 =	vor.u32 v18, v5;
	v4 =	vor.u32 v19, v4;
	s30 =	sadd.s32 $0x400, s30  }
0x5a: {  	v7 =	vand.u32 $0x7F, v7;
	v12 =	vand.u32 $0x7F, v12;
	v3 =	vor.u32 v14, v3;
	v16 =	vld [tilespmem:s30+$0x30];
	p0 =	slt.u32 s28, $0x38  }
0x5b: {  	v9 =	vand.u32 $0x7F, v9;
	v10 =	vand.u32 $0x7F, v10;
	v13 =	vand.u32 $0x7F, v13;
	v14 =	vld [tilespmem:s29+$0xFFFFFFD0]  }
0x5c: {  	v8 =	vand.u32 $0x7F, v8;
	v11 =	vand.u32 $0x7F, v11;
	v7 =	vor.u32 v7, v20;
	v18 =	vld [tilespmem:s29+$0xFFFFFFE0]  }
0x5d: {  	v12 =	vor.u32 v12, v17;
	v9 =	vor.u32 v9, v15;
	v6 =	vor.u32 v10, v6;
	v19 =	vld [tilespmem:s29+$0xFFFFFFF0]  }
0x5e: {  	v5 =	vor.u32 v13, v5;
	v4 =	vor.u32 v8, v4;
	v10 =	vld [tilespmem:s29+$0x0];
	v15 =	vshrl.u32 v21, $0x3  }
0x5f: {  	v3 =	vor.u32 v11, v3;
	v8 =	vld [tilespmem:s29+$0x10];
	v13 =	vmul.u32 $0xC00, v15;
	v15 =	vshll.u32 v16, $0x7  }
0x60: {  	v17 =	vshll.u32 v21, $0x7;
	v16 =	vshll.u32 v16, $0x4;
	v11 =	vld [tilespmem:s29+$0x20];
	v15 =	vand.u32 $0xFFFFFC00, v15  }
0x61: {  	v16 =	vor.u32 v1, v16;
	v20 =	vld [tilespmem:s29+$0xFFFFFFC0];
	v13 =	vadd.s32 v13, v15;
	v15 =	vand.u32 $0x380, v17  }
0x62: {  	v21 =	vshrl.u32 v14, $0x3;
	v16 =	vand.u32 $0x7F, v16;
	v17 =	vld [tilespmem:s30+$0xFFFFFFC0];
	v13 =	vor.u32 v15, v13  }
0x63: {  	v22 =	vshrl.u32 v18, $0x3;
	v23 =	vshrl.u32 v19, $0x3;
	v15 =	vld [tilespmem:s30+$0xFFFFFFD0];
	v13 =	vor.u32 v16, v13  }
0x64: {  	v16 =	vmul.u32 $0xC00, v21;
	v24 =	vshrl.u32 v10, $0x3;
	v21 =	vld [tilespmem:s30+$0xFFFFFFE0];
	v25 =	vshrl.u32 v8, $0x3  }
0x65: {  	v22 =	vmul.u32 $0xC00, v22;
	v23 =	vmul.u32 $0xC00, v23;
	v26 =	vld [tilespmem:s30+$0xFFFFFFF0];
	v27 =	vshrl.u32 v11, $0x3  }
0x66: {  	v24 =	vmul.u32 $0xC00, v24;
	v25 =	vmul.u32 $0xC00, v25;
	v28 =	vshrl.u32 v20, $0x3;
	v29 =	vld [tilespmem:s30+$0x0]  }
0x67: {  	v27 =	vmul.u32 $0xC00, v27;
	v28 =	vmul.u32 $0xC00, v28;
	v30 =	vshll.u32 v17, $0x7;
	v31 =	vld [tilespmem:s30+$0x10]  }
0x68: {  	v17 =	vshll.u32 v17, $0x4;
	v30 =	vand.u32 $0xFFFFFC00, v30;
	v32 =	vshll.u32 v15, $0x7;
	[tilespmem:v13+s18+$0x0] =	vst.idx.add.s32.msk $0xffff, v2  }
0x69: {  	v13 =	vshll.u32 v20, $0x7;
	v20 =	vand.u32 $0xFFFFFC00, v32;
	v32 =	vshll.u32 v21, $0x7;
	v33 =	vld [tilespmem:s30+$0x20]  }
0x6a: {  	v15 =	vshll.u32 v15, $0x4;
	v32 =	vand.u32 $0xFFFFFC00, v32;
	v34 =	vshll.u32 v26, $0x7;
	[tilespmem:v7+s18+$0x0] =	vst.idx.add.s32.msk $0xffff, v2  }
0x6b: {  	v14 =	vshll.u32 v14, $0x7;
	v7 =	vand.u32 $0xFFFFFC00, v34;
	v34 =	vshll.u32 v29, $0x7;
	[tilespmem:v12+s18+$0x0] =	vst.idx.add.s32.msk $0xffff, v2  }
0x6c: {  	v21 =	vshll.u32 v21, $0x4;
	v12 =	vand.u32 $0xFFFFFC00, v34;
	v34 =	vshll.u32 v31, $0x7;
	[tilespmem:v9+s18+$0x0] =	vst.idx.add.s32.msk $0xffff, v2  }
0x6d: {  	v18 =	vshll.u32 v18, $0x7;
	v26 =	vshll.u32 v26, $0x4;
	v9 =	vand.u32 $0xFFFFFC00, v34;
	[tilespmem:v6+s18+$0x0] =	vst.idx.add.s32.msk $0xffff, v2  }
0x6e: {  	v19 =	vshll.u32 v19, $0x7;
	v29 =	vshll.u32 v29, $0x4;
	v6 =	vshll.u32 v33, $0x7;
	[tilespmem:v5+s18+$0x0] =	vst.idx.add.s32.msk $0xffff, v2  }
0x6f: {  	v31 =	vshll.u32 v31, $0x4;
	v34 =	vshll.u32 v10, $0x7;
	v10 =	vand.u32 $0xFFFFFC00, v6;
	[tilespmem:v4+s18+$0x0] =	vst.idx.add.s32.msk $0xffff, v2  }
0x70: {  	v35 =	vshll.u32 v8, $0x7;
	v36 =	vshll.u32 v11, $0x7;
	v33 =	vshll.u32 v33, $0x4;
	[tilespmem:v3+s18+$0x0] =	vst.idx.add.s32.msk $0xffff, v2  }
0x71: {  	v28 =	vadd.s32 v28, v30;
	v30 =	vadd.s32 v16, v20;
	v22 =	vadd.s32 v22, v32  }
0x72: {  	v5 =	vadd.s32 v24, v12;
	v6 =	vadd.s32 v23, v7;
	v4 =	vadd.s32 v25, v9  }
0x73: {  	v7 =	vor.u32 v1, v17;
	v17 =	vand.u32 $0x380, v13;
	v3 =	vadd.s32 v27, v10  }
.Ltmp2:
0x74: {  	v12 =	vor.u32 v1, v15;
	v15 =	vand.u32 $0x380, v14;
	v9 =	vor.u32 v1, v21;
	(pc) =	sbr.rel @p0 .LBB2_7-.Ltmp2, $4  }
0x75: {  	v16 =	vand.u32 $0x380, v19;
	v21 =	vand.u32 $0x380, v18;
	v10 =	vor.u32 v1, v26  }
0x76: {  	v8 =	vor.u32 v1, v31;
	v13 =	vor.u32 v1, v29;
	v18 =	vand.u32 $0x380, v34  }
0x77: {  	v19 =	vand.u32 $0x380, v35;
	v14 =	vand.u32 $0x380, v36;
	v11 =	vor.u32 v1, v33  }
0x78: {  	s29 =	sadd.s32 $0x400, s29;
	v20 =	vor.u32 v17, v28;
	v17 =	vor.u32 v15, v30;
	v15 =	vor.u32 v21, v22  }
0x79: {  	v7 =	vand.u32 $0x7F, v7  }
0x7a: {  	v12 =	vand.u32 $0x7F, v12;
	v7 =	vor.u32 v7, v20  }
0x7b: {  	v9 =	vand.u32 $0x7F, v9;
	v12 =	vor.u32 v12, v17  }
0x7c: {  	v6 =	vor.u32 v16, v6;
	v10 =	vand.u32 $0x7F, v10;
	v9 =	vor.u32 v9, v15  }
0x7d: {  	v5 =	vor.u32 v18, v5;
	v13 =	vand.u32 $0x7F, v13;
	v6 =	vor.u32 v10, v6  }
0x7e: {  	v4 =	vor.u32 v19, v4;
	v8 =	vand.u32 $0x7F, v8;
	v5 =	vor.u32 v13, v5  }
0x7f: {  	v3 =	vor.u32 v14, v3;
	v63 =	vand.u32 $0x7F, v11;
	s24 =	sadd.s32 $0x1, s24;
	v4 =	vor.u32 v8, v4;
	[tilespmem:v7+s18+$0x0] =	vst.idx.add.s32.msk $0xffff, v2  }
0x80: {  	v3 =	vor.u32 v63, v3;
	p0 =	sne.s32 s24, $0x8;
	[tilespmem:v12+s18+$0x0] =	vst.idx.add.s32.msk $0xffff, v2  }
.Ltmp3:
0x81: {  	[tilespmem:v9+s18+$0x0] =	vst.idx.add.s32.msk $0xffff, v2;
	(pc) =	sbr.rel @p0 .LBB2_6-.Ltmp3, $4  }
0x82: {  	[tilespmem:v6+s18+$0x0] =	vst.idx.add.s32.msk $0xffff, v2  }
0x83: {  	[tilespmem:v5+s18+$0x0] =	vst.idx.add.s32.msk $0xffff, v2  }
0x84: {  	[tilespmem:v4+s18+$0x0] =	vst.idx.add.s32.msk $0xffff, v2  }
0x85: {  	s25 =	sadd.s32 $0x80, s25;
	s26 =	sadd.s32 $0x80, s26;
	[tilespmem:v3+s18+$0x0] =	vst.idx.add.s32.msk $0xffff, v2  }
0x86: {  	_ =	swait.ge [sflag:s19], $0x2000  }
0x87: {  	[sflag:s19] =	ssyncset.done $0x0  }
0x88: {  	[sflag:s19] =	ssyncadd.s32 $0xFFFFE000  }
0x89: {  	_ =	swait.ge [sflag:s20], $0x2000  }
0x8a: {  	[sflag:s20] =	ssyncset.done $0x0  }
0x8b: {  	s24 =	simm.s32 $0x0;
	[sflag:s20] =	ssyncadd.s32 $0xFFFFE000  }
0x8c: {  	[tilespmem:s24], [sflag:$0x1] =	stream.linear.gather [hbm4b:s7+s24], $0x2000, $0x38;
	[tilespmem:$0xB000] =	vst v63  }
0x8d: {  	s25 =	simm.s32 $0x2070;
	s26 =	simm.s32 $0x6070  }
0x8e: {  	[tilespmem:s3], [sflag:$0x3] =	stream.linear.gather [hbm4b:s8+s24], $0x2000, $0x38;
	[tilespmem:$0xB000] =	vst v63  }
.LBB2_10:
0x8f: {  	v3 =	vld [tilespmem:s25+$0x0]  }
0x90: {  	v4 =	vld [tilespmem:s26+$0x0]  }
0x91: {  	v5 =	vld [tilespmem:s25+$0xFFFFFFA0]  }
0x92: {  	v6 =	vld [tilespmem:s25+$0xFFFFFFB0]  }
0x93: {  	v7 =	vld [tilespmem:s25+$0xFFFFFFC0]  }
0x94: {  	v10 =	vld [tilespmem:s25+$0xFFFFFFE0]  }
0x95: {  	v12 =	vld [tilespmem:s25+$0xFFFFFFF0]  }
0x96: {  	v13 =	vld [tilespmem:s25+$0xFFFFFF90]  }
0x97: {  	v19 =	vld [tilespmem:s26+$0xFFFFFFC0]  }
0x98: {  	v22 =	vld [tilespmem:s26+$0xFFFFFFD0]  }
0x99: {  	v24 =	vld [tilespmem:s26+$0xFFFFFFE0]  }
0x9a: {  	v9 =	vshrl.u32 v3, $0x3;
	v11 =	vshll.u32 v4, $0x7;
	v4 =	vshll.u32 v4, $0x4  }
0x9b: {  	v27 =	vld [tilespmem:s26+$0xFFFFFFF0];
	v3 =	vshll.u32 v3, $0x7;
	v14 =	vshrl.u32 v5, $0x3;
	v15 =	vshrl.u32 v6, $0x3  }
0x9c: {  	v16 =	vshrl.u32 v7, $0x3;
	v18 =	vshrl.u32 v10, $0x3;
	v20 =	vshrl.u32 v12, $0x3  }
0x9d: {  	v21 =	vshrl.u32 v13, $0x3;
	v13 =	vshll.u32 v13, $0x7;
	v28 =	vshll.u32 v19, $0x7  }
0x9e: {  	v29 =	vshll.u32 v5, $0x7;
	v58 =	vshll.u32 v22, $0x7;
	v59 =	vshll.u32 v24, $0x7  }
0x9f: {  	v31 =	vshll.u32 v6, $0x7;
	v19 =	vshll.u32 v19, $0x4;
	v32 =	vshll.u32 v7, $0x7  }
0xa0: {  	v22 =	vshll.u32 v22, $0x4;
	v6 =	vshll.u32 v27, $0x7;
	v33 =	vshll.u32 v10, $0x7  }
0xa1: {  	v27 =	vshll.u32 v27, $0x4;
	v34 =	vshll.u32 v12, $0x7;
	v9 =	vmul.u32 $0xC00, v9  }
0xa2: {  	v11 =	vand.u32 $0xFFFFFC00, v11;
	v4 =	vor.u32 v1, v4;
	v3 =	vand.u32 $0x380, v3  }
0xa3: {  	v15 =	vmul.u32 $0xC00, v15;
	v16 =	vmul.u32 $0xC00, v16;
	v18 =	vmul.u32 $0xC00, v18  }
0xa4: {  	v8 =	vld [tilespmem:s25+$0xFFFFFFD0];
	v21 =	vmul.u32 $0xC00, v21;
	v20 =	vmul.u32 $0xC00, v20;
	v5 =	vand.u32 $0xFFFFFC00, v28  }
0xa5: {  	v28 =	vand.u32 $0xFFFFFC00, v59;
	v60 =	vand.u32 $0xFFFFFC00, v6;
	v9 =	vadd.s32 v9, v11;
	v11 =	vld [tilespmem:s26+$0xFFFFFF90]  }
0xa6: {  	v61 =	vand.u32 $0x380, v13;
	v62 =	vand.u32 $0x380, v29;
	v63 =	vand.u32 $0x380, v31  }
0xa7: {  	v10 =	vor.u32 v1, v19;
	v4 =	vand.u32 $0x7F, v4;
	v3 =	vor.u32 v3, v9;
	v9 =	vld [tilespmem:s26+$0xFFFFFFA0]  }
0xa8: {  	v13 =	vor.u32 v1, v22;
	v19 =	vand.u32 $0x380, v33;
	v17 =	vor.u32 v4, v3;
	v4 =	vld [tilespmem:s26+$0xFFFFFFB0]  }
0xa9: {  	v6 =	vadd.s32 v16, v5;
	v16 =	vand.u32 $0x380, v32;
	v3 =	vmul.u32 $0xC00, v14  }
0xaa: {  	v14 =	vshrl.u32 v8, $0x3;
	v8 =	vshll.u32 v8, $0x7;
	v23 =	vshll.u32 v11, $0x7  }
0xab: {  	v14 =	vmul.u32 $0xC00, v14;
	v11 =	vshll.u32 v11, $0x4;
	v23 =	vand.u32 $0xFFFFFC00, v23  }
0xac: {  	v25 =	vshll.u32 v9, $0x7;
	v9 =	vshll.u32 v9, $0x4;
	v7 =	vor.u32 v1, v11  }
0xad: {  	v11 =	vor.u32 v1, v27;
	v25 =	vand.u32 $0xFFFFFC00, v25;
	v26 =	vshll.u32 v4, $0x7  }
0xae: {  	v30 =	vshll.u32 v4, $0x4;
	v4 =	vand.u32 $0xFFFFFC00, v58;
	v21 =	vadd.s32 v21, v23  }
0xaf: {  	v23 =	vshll.u32 v24, $0x4;
	v12 =	vor.u32 v1, v9;
	v26 =	vand.u32 $0xFFFFFC00, v26  }
0xb0: {  	v25 =	vadd.s32 v3, v25;
	v5 =	vadd.s32 v14, v4;
	v4 =	vadd.s32 v18, v28  }
0xb1: {  	v3 =	vadd.s32 v20, v60;
	v9 =	vor.u32 v1, v30;
	v18 =	vand.u32 $0x380, v8  }
0xb2: {  	[tilespmem:v17+s18+$0x0] =	vst.idx.add.s32.msk $0xffff, v2;
	v8 =	vor.u32 v1, v23;
	v14 =	vand.u32 $0x380, v34;
	v15 =	vadd.s32 v15, v26  }
0xb3: {  	s28 =	simm.s32 $0x0;
	s29 =	sadd.s32 $0x400, s25;
	s30 =	smov.u32 s26;
	v20 =	vor.u32 v61, v21;
	v17 =	vor.u32 v62, v25;
	v15 =	vor.u32 v63, v15  }
.LBB2_11:
0xb4: {  	v21 =	vld [tilespmem:s29+$0x0];
	s28 =	sadd.s32 $0x8, s28;
	v6 =	vor.u32 v16, v6;
	v5 =	vor.u32 v18, v5;
	v4 =	vor.u32 v19, v4;
	s30 =	sadd.s32 $0x400, s30  }
0xb5: {  	v7 =	vand.u32 $0x7F, v7;
	v12 =	vand.u32 $0x7F, v12;
	v3 =	vor.u32 v14, v3;
	v16 =	vld [tilespmem:s30+$0x0];
	p0 =	slt.u32 s28, $0x38  }
0xb6: {  	v9 =	vand.u32 $0x7F, v9;
	v10 =	vand.u32 $0x7F, v10;
	v13 =	vand.u32 $0x7F, v13;
	v14 =	vld [tilespmem:s29+$0xFFFFFFA0]  }
0xb7: {  	v8 =	vand.u32 $0x7F, v8;
	v11 =	vand.u32 $0x7F, v11;
	v7 =	vor.u32 v7, v20;
	v18 =	vld [tilespmem:s29+$0xFFFFFFB0]  }
0xb8: {  	v12 =	vor.u32 v12, v17;
	v9 =	vor.u32 v9, v15;
	v6 =	vor.u32 v10, v6;
	v19 =	vld [tilespmem:s29+$0xFFFFFFC0]  }
0xb9: {  	v5 =	vor.u32 v13, v5;
	v4 =	vor.u32 v8, v4;
	v10 =	vld [tilespmem:s29+$0xFFFFFFD0];
	v15 =	vshrl.u32 v21, $0x3  }
0xba: {  	v3 =	vor.u32 v11, v3;
	v8 =	vld [tilespmem:s29+$0xFFFFFFE0];
	v13 =	vmul.u32 $0xC00, v15;
	v15 =	vshll.u32 v16, $0x7  }
0xbb: {  	v17 =	vshll.u32 v21, $0x7;
	v16 =	vshll.u32 v16, $0x4;
	v11 =	vld [tilespmem:s29+$0xFFFFFFF0];
	v15 =	vand.u32 $0xFFFFFC00, v15  }
0xbc: {  	v16 =	vor.u32 v1, v16;
	v20 =	vld [tilespmem:s29+$0xFFFFFF90];
	v13 =	vadd.s32 v13, v15;
	v15 =	vand.u32 $0x380, v17  }
0xbd: {  	v21 =	vshrl.u32 v14, $0x3;
	v16 =	vand.u32 $0x7F, v16;
	v17 =	vld [tilespmem:s30+$0xFFFFFF90];
	v13 =	vor.u32 v15, v13  }
0xbe: {  	v22 =	vshrl.u32 v18, $0x3;
	v23 =	vshrl.u32 v19, $0x3;
	v15 =	vld [tilespmem:s30+$0xFFFFFFA0];
	v13 =	vor.u32 v16, v13  }
0xbf: {  	v16 =	vmul.u32 $0xC00, v21;
	v24 =	vshrl.u32 v10, $0x3;
	v21 =	vld [tilespmem:s30+$0xFFFFFFB0];
	v25 =	vshrl.u32 v8, $0x3  }
0xc0: {  	v22 =	vmul.u32 $0xC00, v22;
	v23 =	vmul.u32 $0xC00, v23;
	v26 =	vld [tilespmem:s30+$0xFFFFFFC0];
	v27 =	vshrl.u32 v11, $0x3  }
0xc1: {  	v24 =	vmul.u32 $0xC00, v24;
	v25 =	vmul.u32 $0xC00, v25;
	v28 =	vshrl.u32 v20, $0x3;
	v29 =	vld [tilespmem:s30+$0xFFFFFFD0]  }
0xc2: {  	v27 =	vmul.u32 $0xC00, v27;
	v28 =	vmul.u32 $0xC00, v28;
	v30 =	vshll.u32 v17, $0x7;
	v31 =	vld [tilespmem:s30+$0xFFFFFFE0]  }
0xc3: {  	v17 =	vshll.u32 v17, $0x4;
	v30 =	vand.u32 $0xFFFFFC00, v30;
	v32 =	vshll.u32 v15, $0x7;
	[tilespmem:v13+s18+$0x0] =	vst.idx.add.s32.msk $0xffff, v2  }
0xc4: {  	v13 =	vshll.u32 v20, $0x7;
	v20 =	vand.u32 $0xFFFFFC00, v32;
	v32 =	vshll.u32 v21, $0x7;
	v33 =	vld [tilespmem:s30+$0xFFFFFFF0]  }
0xc5: {  	v15 =	vshll.u32 v15, $0x4;
	v32 =	vand.u32 $0xFFFFFC00, v32;
	v34 =	vshll.u32 v26, $0x7;
	[tilespmem:v7+s18+$0x0] =	vst.idx.add.s32.msk $0xffff, v2  }
0xc6: {  	v14 =	vshll.u32 v14, $0x7;
	v7 =	vand.u32 $0xFFFFFC00, v34;
	v34 =	vshll.u32 v29, $0x7;
	[tilespmem:v12+s18+$0x0] =	vst.idx.add.s32.msk $0xffff, v2  }
0xc7: {  	v21 =	vshll.u32 v21, $0x4;
	v12 =	vand.u32 $0xFFFFFC00, v34;
	v34 =	vshll.u32 v31, $0x7;
	[tilespmem:v9+s18+$0x0] =	vst.idx.add.s32.msk $0xffff, v2  }
0xc8: {  	v18 =	vshll.u32 v18, $0x7;
	v26 =	vshll.u32 v26, $0x4;
	v9 =	vand.u32 $0xFFFFFC00, v34;
	[tilespmem:v6+s18+$0x0] =	vst.idx.add.s32.msk $0xffff, v2  }
0xc9: {  	v19 =	vshll.u32 v19, $0x7;
	v29 =	vshll.u32 v29, $0x4;
	v6 =	vshll.u32 v33, $0x7;
	[tilespmem:v5+s18+$0x0] =	vst.idx.add.s32.msk $0xffff, v2  }
0xca: {  	v31 =	vshll.u32 v31, $0x4;
	v34 =	vshll.u32 v10, $0x7;
	v10 =	vand.u32 $0xFFFFFC00, v6;
	[tilespmem:v4+s18+$0x0] =	vst.idx.add.s32.msk $0xffff, v2  }
0xcb: {  	v35 =	vshll.u32 v8, $0x7;
	v36 =	vshll.u32 v11, $0x7;
	v33 =	vshll.u32 v33, $0x4;
	[tilespmem:v3+s18+$0x0] =	vst.idx.add.s32.msk $0xffff, v2  }
0xcc: {  	v28 =	vadd.s32 v28, v30;
	v30 =	vadd.s32 v16, v20;
	v22 =	vadd.s32 v22, v32  }
0xcd: {  	v5 =	vadd.s32 v24, v12;
	v6 =	vadd.s32 v23, v7;
	v4 =	vadd.s32 v25, v9  }
0xce: {  	v7 =	vor.u32 v1, v17;
	v17 =	vand.u32 $0x380, v13;
	v3 =	vadd.s32 v27, v10  }
.Ltmp4:
0xcf: {  	v12 =	vor.u32 v1, v15;
	v15 =	vand.u32 $0x380, v14;
	v9 =	vor.u32 v1, v21;
	(pc) =	sbr.rel @p0 .LBB2_11-.Ltmp4, $4  }
0xd0: {  	v16 =	vand.u32 $0x380, v19;
	v21 =	vand.u32 $0x380, v18;
	v10 =	vor.u32 v1, v26  }
0xd1: {  	v8 =	vor.u32 v1, v31;
	v13 =	vor.u32 v1, v29;
	v18 =	vand.u32 $0x380, v34  }
0xd2: {  	v19 =	vand.u32 $0x380, v35;
	v14 =	vand.u32 $0x380, v36;
	v11 =	vor.u32 v1, v33  }
0xd3: {  	s29 =	sadd.s32 $0x400, s29;
	v20 =	vor.u32 v17, v28;
	v17 =	vor.u32 v15, v30;
	v15 =	vor.u32 v21, v22  }
0xd4: {  	v7 =	vand.u32 $0x7F, v7  }
0xd5: {  	v12 =	vand.u32 $0x7F, v12;
	v7 =	vor.u32 v7, v20  }
0xd6: {  	v9 =	vand.u32 $0x7F, v9;
	v12 =	vor.u32 v12, v17  }
0xd7: {  	v6 =	vor.u32 v16, v6;
	v10 =	vand.u32 $0x7F, v10;
	v9 =	vor.u32 v9, v15  }
0xd8: {  	v5 =	vor.u32 v18, v5;
	v13 =	vand.u32 $0x7F, v13;
	v6 =	vor.u32 v10, v6  }
0xd9: {  	v4 =	vor.u32 v19, v4;
	v8 =	vand.u32 $0x7F, v8;
	v5 =	vor.u32 v13, v5  }
0xda: {  	v3 =	vor.u32 v14, v3;
	v63 =	vand.u32 $0x7F, v11;
	s24 =	sadd.s32 $0x1, s24;
	v4 =	vor.u32 v8, v4;
	[tilespmem:v7+s18+$0x0] =	vst.idx.add.s32.msk $0xffff, v2  }
0xdb: {  	v3 =	vor.u32 v63, v3;
	p0 =	sne.s32 s24, $0x8;
	[tilespmem:v12+s18+$0x0] =	vst.idx.add.s32.msk $0xffff, v2  }
.Ltmp5:
0xdc: {  	[tilespmem:v9+s18+$0x0] =	vst.idx.add.s32.msk $0xffff, v2;
	(pc) =	sbr.rel @p0 .LBB2_10-.Ltmp5, $4  }
0xdd: {  	[tilespmem:v6+s18+$0x0] =	vst.idx.add.s32.msk $0xffff, v2  }
0xde: {  	[tilespmem:v5+s18+$0x0] =	vst.idx.add.s32.msk $0xffff, v2  }
0xdf: {  	[tilespmem:v4+s18+$0x0] =	vst.idx.add.s32.msk $0xffff, v2  }
0xe0: {  	s25 =	sadd.s32 $0x80, s25;
	s26 =	sadd.s32 $0x80, s26;
	[tilespmem:v3+s18+$0x0] =	vst.idx.add.s32.msk $0xffff, v2  }
0xe1: {  	_ =	swait.ge [sflag:s14], $0x2000  }
0xe2: {  	[sflag:s14] =	ssyncset.done $0x0  }
0xe3: {  	[sflag:s14] =	ssyncadd.s32 $0xFFFFE000  }
0xe4: {  	_ =	swait.ge [sflag:s15], $0x2000  }
0xe5: {  	[sflag:s15] =	ssyncset.done $0x0  }
0xe6: {  	s24 =	simm.s32 $0x0;
	[sflag:s15] =	ssyncadd.s32 $0xFFFFE000  }
0xe7: {  	[tilespmem:s4], [sflag:$0x2] =	stream.linear.gather [hbm4b:s9+s24], $0x2000, $0x38;
	[tilespmem:$0xB000] =	vst v63  }
0xe8: {  	s25 =	simm.s32 $0x40;
	s26 =	simm.s32 $0x4040  }
0xe9: {  	[tilespmem:s16], [sflag:$0x4] =	stream.linear.gather [hbm4b:s10+s24], $0x2000, $0x38;
	[tilespmem:$0xB000] =	vst v63  }
.LBB2_14:
0xea: {  	v3 =	vld [tilespmem:s25+$0x30]  }
0xeb: {  	v4 =	vld [tilespmem:s26+$0x30]  }
0xec: {  	v5 =	vld [tilespmem:s25+$0xFFFFFFD0]  }
0xed: {  	v6 =	vld [tilespmem:s25+$0xFFFFFFE0]  }
0xee: {  	v7 =	vld [tilespmem:s25+$0xFFFFFFF0]  }
0xef: {  	v10 =	vld [tilespmem:s25+$0x10]  }
0xf0: {  	v12 =	vld [tilespmem:s25+$0x20]  }
0xf1: {  	v13 =	vld [tilespmem:s25+$0xFFFFFFC0]  }
0xf2: {  	v19 =	vld [tilespmem:s26+$0xFFFFFFF0]  }
0xf3: {  	v22 =	vld [tilespmem:s26+$0x0]  }
0xf4: {  	v24 =	vld [tilespmem:s26+$0x10]  }
0xf5: {  	v9 =	vshrl.u32 v3, $0x3;
	v11 =	vshll.u32 v4, $0x7;
	v4 =	vshll.u32 v4, $0x4  }
0xf6: {  	v27 =	vld [tilespmem:s26+$0x20];
	v3 =	vshll.u32 v3, $0x7;
	v14 =	vshrl.u32 v5, $0x3;
	v15 =	vshrl.u32 v6, $0x3  }
0xf7: {  	v16 =	vshrl.u32 v7, $0x3;
	v18 =	vshrl.u32 v10, $0x3;
	v20 =	vshrl.u32 v12, $0x3  }
0xf8: {  	v21 =	vshrl.u32 v13, $0x3;
	v13 =	vshll.u32 v13, $0x7;
	v28 =	vshll.u32 v19, $0x7  }
0xf9: {  	v29 =	vshll.u32 v5, $0x7;
	v58 =	vshll.u32 v22, $0x7;
	v59 =	vshll.u32 v24, $0x7  }
0xfa: {  	v31 =	vshll.u32 v6, $0x7;
	v19 =	vshll.u32 v19, $0x4;
	v32 =	vshll.u32 v7, $0x7  }
0xfb: {  	v22 =	vshll.u32 v22, $0x4;
	v6 =	vshll.u32 v27, $0x7;
	v33 =	vshll.u32 v10, $0x7  }
0xfc: {  	v27 =	vshll.u32 v27, $0x4;
	v34 =	vshll.u32 v12, $0x7;
	v9 =	vmul.u32 $0xC00, v9  }
0xfd: {  	v11 =	vand.u32 $0xFFFFFC00, v11;
	v4 =	vor.u32 v1, v4;
	v3 =	vand.u32 $0x380, v3  }
0xfe: {  	v15 =	vmul.u32 $0xC00, v15;
	v16 =	vmul.u32 $0xC00, v16;
	v18 =	vmul.u32 $0xC00, v18  }
0xff: {  	v8 =	vld [tilespmem:s25+$0x0];
	v21 =	vmul.u32 $0xC00, v21;
	v20 =	vmul.u32 $0xC00, v20;
	v5 =	vand.u32 $0xFFFFFC00, v28  }
0x100: {  	v28 =	vand.u32 $0xFFFFFC00, v59;
	v60 =	vand.u32 $0xFFFFFC00, v6;
	v9 =	vadd.s32 v9, v11;
	v11 =	vld [tilespmem:s26+$0xFFFFFFC0]  }
0x101: {  	v61 =	vand.u32 $0x380, v13;
	v62 =	vand.u32 $0x380, v29;
	v63 =	vand.u32 $0x380, v31  }
0x102: {  	v10 =	vor.u32 v1, v19;
	v4 =	vand.u32 $0x7F, v4;
	v3 =	vor.u32 v3, v9;
	v9 =	vld [tilespmem:s26+$0xFFFFFFD0]  }
0x103: {  	v13 =	vor.u32 v1, v22;
	v19 =	vand.u32 $0x380, v33;
	v17 =	vor.u32 v4, v3;
	v4 =	vld [tilespmem:s26+$0xFFFFFFE0]  }
0x104: {  	v6 =	vadd.s32 v16, v5;
	v16 =	vand.u32 $0x380, v32;
	v3 =	vmul.u32 $0xC00, v14  }
0x105: {  	v14 =	vshrl.u32 v8, $0x3;
	v8 =	vshll.u32 v8, $0x7;
	v23 =	vshll.u32 v11, $0x7  }
0x106: {  	v14 =	vmul.u32 $0xC00, v14;
	v11 =	vshll.u32 v11, $0x4;
	v23 =	vand.u32 $0xFFFFFC00, v23  }
0x107: {  	v25 =	vshll.u32 v9, $0x7;
	v9 =	vshll.u32 v9, $0x4;
	v7 =	vor.u32 v1, v11  }
0x108: {  	v11 =	vor.u32 v1, v27;
	v25 =	vand.u32 $0xFFFFFC00, v25;
	v26 =	vshll.u32 v4, $0x7  }
0x109: {  	v30 =	vshll.u32 v4, $0x4;
	v4 =	vand.u32 $0xFFFFFC00, v58;
	v21 =	vadd.s32 v21, v23  }
0x10a: {  	v23 =	vshll.u32 v24, $0x4;
	v12 =	vor.u32 v1, v9;
	v26 =	vand.u32 $0xFFFFFC00, v26  }
0x10b: {  	v25 =	vadd.s32 v3, v25;
	v5 =	vadd.s32 v14, v4;
	v4 =	vadd.s32 v18, v28  }
0x10c: {  	v3 =	vadd.s32 v20, v60;
	v9 =	vor.u32 v1, v30;
	v18 =	vand.u32 $0x380, v8  }
0x10d: {  	[tilespmem:v17+s18+$0x0] =	vst.idx.add.s32.msk $0xffff, v2;
	v8 =	vor.u32 v1, v23;
	v14 =	vand.u32 $0x380, v34;
	v15 =	vadd.s32 v15, v26  }
0x10e: {  	s28 =	simm.s32 $0x0;
	s29 =	sadd.s32 $0x400, s25;
	s30 =	smov.u32 s26;
	v20 =	vor.u32 v61, v21;
	v17 =	vor.u32 v62, v25;
	v15 =	vor.u32 v63, v15  }
.LBB2_15:
0x10f: {  	v21 =	vld [tilespmem:s29+$0x30];
	s28 =	sadd.s32 $0x8, s28;
	v6 =	vor.u32 v16, v6;
	v5 =	vor.u32 v18, v5;
	v4 =	vor.u32 v19, v4;
	s30 =	sadd.s32 $0x400, s30  }
0x110: {  	v7 =	vand.u32 $0x7F, v7;
	v12 =	vand.u32 $0x7F, v12;
	v3 =	vor.u32 v14, v3;
	v16 =	vld [tilespmem:s30+$0x30];
	p0 =	slt.u32 s28, $0x38  }
0x111: {  	v9 =	vand.u32 $0x7F, v9;
	v10 =	vand.u32 $0x7F, v10;
	v13 =	vand.u32 $0x7F, v13;
	v14 =	vld [tilespmem:s29+$0xFFFFFFD0]  }
0x112: {  	v8 =	vand.u32 $0x7F, v8;
	v11 =	vand.u32 $0x7F, v11;
	v7 =	vor.u32 v7, v20;
	v18 =	vld [tilespmem:s29+$0xFFFFFFE0]  }
0x113: {  	v12 =	vor.u32 v12, v17;
	v9 =	vor.u32 v9, v15;
	v6 =	vor.u32 v10, v6;
	v19 =	vld [tilespmem:s29+$0xFFFFFFF0]  }
0x114: {  	v5 =	vor.u32 v13, v5;
	v4 =	vor.u32 v8, v4;
	v10 =	vld [tilespmem:s29+$0x0];
	v15 =	vshrl.u32 v21, $0x3  }
0x115: {  	v3 =	vor.u32 v11, v3;
	v8 =	vld [tilespmem:s29+$0x10];
	v13 =	vmul.u32 $0xC00, v15;
	v15 =	vshll.u32 v16, $0x7  }
0x116: {  	v17 =	vshll.u32 v21, $0x7;
	v16 =	vshll.u32 v16, $0x4;
	v11 =	vld [tilespmem:s29+$0x20];
	v15 =	vand.u32 $0xFFFFFC00, v15  }
0x117: {  	v16 =	vor.u32 v1, v16;
	v20 =	vld [tilespmem:s29+$0xFFFFFFC0];
	v13 =	vadd.s32 v13, v15;
	v15 =	vand.u32 $0x380, v17  }
0x118: {  	v21 =	vshrl.u32 v14, $0x3;
	v16 =	vand.u32 $0x7F, v16;
	v17 =	vld [tilespmem:s30+$0xFFFFFFC0];
	v13 =	vor.u32 v15, v13  }
0x119: {  	v22 =	vshrl.u32 v18, $0x3;
	v23 =	vshrl.u32 v19, $0x3;
	v15 =	vld [tilespmem:s30+$0xFFFFFFD0];
	v13 =	vor.u32 v16, v13  }
0x11a: {  	v16 =	vmul.u32 $0xC00, v21;
	v24 =	vshrl.u32 v10, $0x3;
	v21 =	vld [tilespmem:s30+$0xFFFFFFE0];
	v25 =	vshrl.u32 v8, $0x3  }
0x11b: {  	v22 =	vmul.u32 $0xC00, v22;
	v23 =	vmul.u32 $0xC00, v23;
	v26 =	vld [tilespmem:s30+$0xFFFFFFF0];
	v27 =	vshrl.u32 v11, $0x3  }
0x11c: {  	v24 =	vmul.u32 $0xC00, v24;
	v25 =	vmul.u32 $0xC00, v25;
	v28 =	vshrl.u32 v20, $0x3;
	v29 =	vld [tilespmem:s30+$0x0]  }
0x11d: {  	v27 =	vmul.u32 $0xC00, v27;
	v28 =	vmul.u32 $0xC00, v28;
	v30 =	vshll.u32 v17, $0x7;
	v31 =	vld [tilespmem:s30+$0x10]  }
0x11e: {  	v17 =	vshll.u32 v17, $0x4;
	v30 =	vand.u32 $0xFFFFFC00, v30;
	v32 =	vshll.u32 v15, $0x7;
	[tilespmem:v13+s18+$0x0] =	vst.idx.add.s32.msk $0xffff, v2  }
0x11f: {  	v13 =	vshll.u32 v20, $0x7;
	v20 =	vand.u32 $0xFFFFFC00, v32;
	v32 =	vshll.u32 v21, $0x7;
	v33 =	vld [tilespmem:s30+$0x20]  }
0x120: {  	v15 =	vshll.u32 v15, $0x4;
	v32 =	vand.u32 $0xFFFFFC00, v32;
	v34 =	vshll.u32 v26, $0x7;
	[tilespmem:v7+s18+$0x0] =	vst.idx.add.s32.msk $0xffff, v2  }
0x121: {  	v14 =	vshll.u32 v14, $0x7;
	v7 =	vand.u32 $0xFFFFFC00, v34;
	v34 =	vshll.u32 v29, $0x7;
	[tilespmem:v12+s18+$0x0] =	vst.idx.add.s32.msk $0xffff, v2  }
0x122: {  	v21 =	vshll.u32 v21, $0x4;
	v12 =	vand.u32 $0xFFFFFC00, v34;
	v34 =	vshll.u32 v31, $0x7;
	[tilespmem:v9+s18+$0x0] =	vst.idx.add.s32.msk $0xffff, v2  }
0x123: {  	v18 =	vshll.u32 v18, $0x7;
	v26 =	vshll.u32 v26, $0x4;
	v9 =	vand.u32 $0xFFFFFC00, v34;
	[tilespmem:v6+s18+$0x0] =	vst.idx.add.s32.msk $0xffff, v2  }
0x124: {  	v19 =	vshll.u32 v19, $0x7;
	v29 =	vshll.u32 v29, $0x4;
	v6 =	vshll.u32 v33, $0x7;
	[tilespmem:v5+s18+$0x0] =	vst.idx.add.s32.msk $0xffff, v2  }
0x125: {  	v31 =	vshll.u32 v31, $0x4;
	v34 =	vshll.u32 v10, $0x7;
	v10 =	vand.u32 $0xFFFFFC00, v6;
	[tilespmem:v4+s18+$0x0] =	vst.idx.add.s32.msk $0xffff, v2  }
0x126: {  	v35 =	vshll.u32 v8, $0x7;
	v36 =	vshll.u32 v11, $0x7;
	v33 =	vshll.u32 v33, $0x4;
	[tilespmem:v3+s18+$0x0] =	vst.idx.add.s32.msk $0xffff, v2  }
0x127: {  	v28 =	vadd.s32 v28, v30;
	v30 =	vadd.s32 v16, v20;
	v22 =	vadd.s32 v22, v32  }
0x128: {  	v5 =	vadd.s32 v24, v12;
	v6 =	vadd.s32 v23, v7;
	v4 =	vadd.s32 v25, v9  }
0x129: {  	v7 =	vor.u32 v1, v17;
	v17 =	vand.u32 $0x380, v13;
	v3 =	vadd.s32 v27, v10  }
.Ltmp6:
0x12a: {  	v12 =	vor.u32 v1, v15;
	v15 =	vand.u32 $0x380, v14;
	v9 =	vor.u32 v1, v21;
	(pc) =	sbr.rel @p0 .LBB2_15-.Ltmp6, $4  }
0x12b: {  	v16 =	vand.u32 $0x380, v19;
	v21 =	vand.u32 $0x380, v18;
	v10 =	vor.u32 v1, v26  }
0x12c: {  	v8 =	vor.u32 v1, v31;
	v13 =	vor.u32 v1, v29;
	v18 =	vand.u32 $0x380, v34  }
0x12d: {  	v19 =	vand.u32 $0x380, v35;
	v14 =	vand.u32 $0x380, v36;
	v11 =	vor.u32 v1, v33  }
0x12e: {  	s29 =	sadd.s32 $0x400, s29;
	v20 =	vor.u32 v17, v28;
	v17 =	vor.u32 v15, v30;
	v15 =	vor.u32 v21, v22  }
0x12f: {  	v7 =	vand.u32 $0x7F, v7  }
0x130: {  	v12 =	vand.u32 $0x7F, v12;
	v7 =	vor.u32 v7, v20  }
0x131: {  	v9 =	vand.u32 $0x7F, v9;
	v12 =	vor.u32 v12, v17  }
0x132: {  	v6 =	vor.u32 v16, v6;
	v10 =	vand.u32 $0x7F, v10;
	v9 =	vor.u32 v9, v15  }
0x133: {  	v5 =	vor.u32 v18, v5;
	v13 =	vand.u32 $0x7F, v13;
	v6 =	vor.u32 v10, v6  }
0x134: {  	v4 =	vor.u32 v19, v4;
	v8 =	vand.u32 $0x7F, v8;
	v5 =	vor.u32 v13, v5  }
0x135: {  	v3 =	vor.u32 v14, v3;
	v63 =	vand.u32 $0x7F, v11;
	s24 =	sadd.s32 $0x1, s24;
	v4 =	vor.u32 v8, v4;
	[tilespmem:v7+s18+$0x0] =	vst.idx.add.s32.msk $0xffff, v2  }
0x136: {  	v3 =	vor.u32 v63, v3;
	p0 =	sne.s32 s24, $0x8;
	[tilespmem:v12+s18+$0x0] =	vst.idx.add.s32.msk $0xffff, v2  }
.Ltmp7:
0x137: {  	[tilespmem:v9+s18+$0x0] =	vst.idx.add.s32.msk $0xffff, v2;
	(pc) =	sbr.rel @p0 .LBB2_14-.Ltmp7, $4  }
0x138: {  	[tilespmem:v6+s18+$0x0] =	vst.idx.add.s32.msk $0xffff, v2  }
0x139: {  	[tilespmem:v5+s18+$0x0] =	vst.idx.add.s32.msk $0xffff, v2  }
0x13a: {  	[tilespmem:v4+s18+$0x0] =	vst.idx.add.s32.msk $0xffff, v2  }
0x13b: {  	s25 =	sadd.s32 $0x80, s25;
	s26 =	sadd.s32 $0x80, s26;
	[tilespmem:v3+s18+$0x0] =	vst.idx.add.s32.msk $0xffff, v2  }
0x13c: {  	_ =	swait.ge [sflag:s19], $0x2000  }
0x13d: {  	[sflag:s19] =	ssyncset.done $0x0  }
0x13e: {  	[sflag:s19] =	ssyncadd.s32 $0xFFFFE000  }
0x13f: {  	_ =	swait.ge [sflag:s20], $0x2000  }
0x140: {  	s24 =	simm.s32 $0x0;
	[sflag:s20] =	ssyncset.done $0x0  }
0x141: {  	s25 =	simm.s32 $0x2070;
	s26 =	simm.s32 $0x6070;
	[sflag:s20] =	ssyncadd.s32 $0xFFFFE000  }
.LBB2_18:
0x142: {  	v3 =	vld [tilespmem:s25+$0x0]  }
0x143: {  	v4 =	vld [tilespmem:s26+$0x0]  }
0x144: {  	v5 =	vld [tilespmem:s25+$0xFFFFFFA0]  }
0x145: {  	v6 =	vld [tilespmem:s25+$0xFFFFFFB0]  }
0x146: {  	v7 =	vld [tilespmem:s25+$0xFFFFFFC0]  }
0x147: {  	v10 =	vld [tilespmem:s25+$0xFFFFFFE0]  }
0x148: {  	v12 =	vld [tilespmem:s25+$0xFFFFFFF0]  }
0x149: {  	v13 =	vld [tilespmem:s25+$0xFFFFFF90]  }
0x14a: {  	v19 =	vld [tilespmem:s26+$0xFFFFFFC0]  }
0x14b: {  	v22 =	vld [tilespmem:s26+$0xFFFFFFD0]  }
0x14c: {  	v24 =	vld [tilespmem:s26+$0xFFFFFFE0]  }
0x14d: {  	v9 =	vshrl.u32 v3, $0x3;
	v11 =	vshll.u32 v4, $0x7;
	v4 =	vshll.u32 v4, $0x4  }
0x14e: {  	v27 =	vld [tilespmem:s26+$0xFFFFFFF0];
	v3 =	vshll.u32 v3, $0x7;
	v14 =	vshrl.u32 v5, $0x3;
	v15 =	vshrl.u32 v6, $0x3  }
0x14f: {  	v16 =	vshrl.u32 v7, $0x3;
	v18 =	vshrl.u32 v10, $0x3;
	v20 =	vshrl.u32 v12, $0x3  }
0x150: {  	v21 =	vshrl.u32 v13, $0x3;
	v13 =	vshll.u32 v13, $0x7;
	v28 =	vshll.u32 v19, $0x7  }
0x151: {  	v29 =	vshll.u32 v5, $0x7;
	v58 =	vshll.u32 v22, $0x7;
	v59 =	vshll.u32 v24, $0x7  }
0x152: {  	v31 =	vshll.u32 v6, $0x7;
	v19 =	vshll.u32 v19, $0x4;
	v32 =	vshll.u32 v7, $0x7  }
0x153: {  	v22 =	vshll.u32 v22, $0x4;
	v6 =	vshll.u32 v27, $0x7;
	v33 =	vshll.u32 v10, $0x7  }
0x154: {  	v27 =	vshll.u32 v27, $0x4;
	v34 =	vshll.u32 v12, $0x7;
	v9 =	vmul.u32 $0xC00, v9  }
0x155: {  	v11 =	vand.u32 $0xFFFFFC00, v11;
	v4 =	vor.u32 v1, v4;
	v3 =	vand.u32 $0x380, v3  }
0x156: {  	v15 =	vmul.u32 $0xC00, v15;
	v16 =	vmul.u32 $0xC00, v16;
	v18 =	vmul.u32 $0xC00, v18  }
0x157: {  	v8 =	vld [tilespmem:s25+$0xFFFFFFD0];
	v21 =	vmul.u32 $0xC00, v21;
	v20 =	vmul.u32 $0xC00, v20;
	v5 =	vand.u32 $0xFFFFFC00, v28  }
0x158: {  	v28 =	vand.u32 $0xFFFFFC00, v59;
	v60 =	vand.u32 $0xFFFFFC00, v6;
	v9 =	vadd.s32 v9, v11;
	v11 =	vld [tilespmem:s26+$0xFFFFFF90]  }
0x159: {  	v61 =	vand.u32 $0x380, v13;
	v62 =	vand.u32 $0x380, v29;
	v63 =	vand.u32 $0x380, v31  }
0x15a: {  	v10 =	vor.u32 v1, v19;
	v4 =	vand.u32 $0x7F, v4;
	v3 =	vor.u32 v3, v9;
	v9 =	vld [tilespmem:s26+$0xFFFFFFA0]  }
0x15b: {  	v13 =	vor.u32 v1, v22;
	v19 =	vand.u32 $0x380, v33;
	v17 =	vor.u32 v4, v3;
	v4 =	vld [tilespmem:s26+$0xFFFFFFB0]  }
0x15c: {  	v6 =	vadd.s32 v16, v5;
	v16 =	vand.u32 $0x380, v32;
	v3 =	vmul.u32 $0xC00, v14  }
0x15d: {  	v14 =	vshrl.u32 v8, $0x3;
	v8 =	vshll.u32 v8, $0x7;
	v23 =	vshll.u32 v11, $0x7  }
0x15e: {  	v14 =	vmul.u32 $0xC00, v14;
	v11 =	vshll.u32 v11, $0x4;
	v23 =	vand.u32 $0xFFFFFC00, v23  }
0x15f: {  	v25 =	vshll.u32 v9, $0x7;
	v9 =	vshll.u32 v9, $0x4;
	v7 =	vor.u32 v1, v11  }
0x160: {  	v11 =	vor.u32 v1, v27;
	v25 =	vand.u32 $0xFFFFFC00, v25;
	v26 =	vshll.u32 v4, $0x7  }
0x161: {  	v30 =	vshll.u32 v4, $0x4;
	v4 =	vand.u32 $0xFFFFFC00, v58;
	v21 =	vadd.s32 v21, v23  }
0x162: {  	v23 =	vshll.u32 v24, $0x4;
	v12 =	vor.u32 v1, v9;
	v26 =	vand.u32 $0xFFFFFC00, v26  }
0x163: {  	v25 =	vadd.s32 v3, v25;
	v5 =	vadd.s32 v14, v4;
	v4 =	vadd.s32 v18, v28  }
0x164: {  	v3 =	vadd.s32 v20, v60;
	v9 =	vor.u32 v1, v30;
	v18 =	vand.u32 $0x380, v8  }
0x165: {  	[tilespmem:v17+s18+$0x0] =	vst.idx.add.s32.msk $0xffff, v2;
	v8 =	vor.u32 v1, v23;
	v14 =	vand.u32 $0x380, v34;
	v15 =	vadd.s32 v15, v26  }
0x166: {  	s28 =	simm.s32 $0x0;
	s29 =	sadd.s32 $0x400, s25;
	s30 =	smov.u32 s26;
	v20 =	vor.u32 v61, v21;
	v17 =	vor.u32 v62, v25;
	v15 =	vor.u32 v63, v15  }
.LBB2_19:
0x167: {  	v21 =	vld [tilespmem:s29+$0x0];
	s28 =	sadd.s32 $0x8, s28;
	v6 =	vor.u32 v16, v6;
	v5 =	vor.u32 v18, v5;
	v4 =	vor.u32 v19, v4;
	s30 =	sadd.s32 $0x400, s30  }
0x168: {  	v7 =	vand.u32 $0x7F, v7;
	v12 =	vand.u32 $0x7F, v12;
	v3 =	vor.u32 v14, v3;
	v16 =	vld [tilespmem:s30+$0x0];
	p0 =	slt.u32 s28, $0x38  }
0x169: {  	v9 =	vand.u32 $0x7F, v9;
	v10 =	vand.u32 $0x7F, v10;
	v13 =	vand.u32 $0x7F, v13;
	v14 =	vld [tilespmem:s29+$0xFFFFFFA0]  }
0x16a: {  	v8 =	vand.u32 $0x7F, v8;
	v11 =	vand.u32 $0x7F, v11;
	v7 =	vor.u32 v7, v20;
	v18 =	vld [tilespmem:s29+$0xFFFFFFB0]  }
0x16b: {  	v12 =	vor.u32 v12, v17;
	v9 =	vor.u32 v9, v15;
	v6 =	vor.u32 v10, v6;
	v19 =	vld [tilespmem:s29+$0xFFFFFFC0]  }
0x16c: {  	v5 =	vor.u32 v13, v5;
	v4 =	vor.u32 v8, v4;
	v10 =	vld [tilespmem:s29+$0xFFFFFFD0];
	v15 =	vshrl.u32 v21, $0x3  }
0x16d: {  	v3 =	vor.u32 v11, v3;
	v8 =	vld [tilespmem:s29+$0xFFFFFFE0];
	v13 =	vmul.u32 $0xC00, v15;
	v15 =	vshll.u32 v16, $0x7  }
0x16e: {  	v17 =	vshll.u32 v21, $0x7;
	v16 =	vshll.u32 v16, $0x4;
	v11 =	vld [tilespmem:s29+$0xFFFFFFF0];
	v15 =	vand.u32 $0xFFFFFC00, v15  }
0x16f: {  	v16 =	vor.u32 v1, v16;
	v20 =	vld [tilespmem:s29+$0xFFFFFF90];
	v13 =	vadd.s32 v13, v15;
	v15 =	vand.u32 $0x380, v17  }
0x170: {  	v21 =	vshrl.u32 v14, $0x3;
	v16 =	vand.u32 $0x7F, v16;
	v17 =	vld [tilespmem:s30+$0xFFFFFF90];
	v13 =	vor.u32 v15, v13  }
0x171: {  	v22 =	vshrl.u32 v18, $0x3;
	v23 =	vshrl.u32 v19, $0x3;
	v15 =	vld [tilespmem:s30+$0xFFFFFFA0];
	v13 =	vor.u32 v16, v13  }
0x172: {  	v16 =	vmul.u32 $0xC00, v21;
	v24 =	vshrl.u32 v10, $0x3;
	v21 =	vld [tilespmem:s30+$0xFFFFFFB0];
	v25 =	vshrl.u32 v8, $0x3  }
0x173: {  	v22 =	vmul.u32 $0xC00, v22;
	v23 =	vmul.u32 $0xC00, v23;
	v26 =	vld [tilespmem:s30+$0xFFFFFFC0];
	v27 =	vshrl.u32 v11, $0x3  }
0x174: {  	v24 =	vmul.u32 $0xC00, v24;
	v25 =	vmul.u32 $0xC00, v25;
	v28 =	vshrl.u32 v20, $0x3;
	v29 =	vld [tilespmem:s30+$0xFFFFFFD0]  }
0x175: {  	v27 =	vmul.u32 $0xC00, v27;
	v28 =	vmul.u32 $0xC00, v28;
	v30 =	vshll.u32 v17, $0x7;
	v31 =	vld [tilespmem:s30+$0xFFFFFFE0]  }
0x176: {  	v17 =	vshll.u32 v17, $0x4;
	v30 =	vand.u32 $0xFFFFFC00, v30;
	v32 =	vshll.u32 v15, $0x7;
	[tilespmem:v13+s18+$0x0] =	vst.idx.add.s32.msk $0xffff, v2  }
0x177: {  	v13 =	vshll.u32 v20, $0x7;
	v20 =	vand.u32 $0xFFFFFC00, v32;
	v32 =	vshll.u32 v21, $0x7;
	v33 =	vld [tilespmem:s30+$0xFFFFFFF0]  }
0x178: {  	v15 =	vshll.u32 v15, $0x4;
	v32 =	vand.u32 $0xFFFFFC00, v32;
	v34 =	vshll.u32 v26, $0x7;
	[tilespmem:v7+s18+$0x0] =	vst.idx.add.s32.msk $0xffff, v2  }
0x179: {  	v14 =	vshll.u32 v14, $0x7;
	v7 =	vand.u32 $0xFFFFFC00, v34;
	v34 =	vshll.u32 v29, $0x7;
	[tilespmem:v12+s18+$0x0] =	vst.idx.add.s32.msk $0xffff, v2  }
0x17a: {  	v21 =	vshll.u32 v21, $0x4;
	v12 =	vand.u32 $0xFFFFFC00, v34;
	v34 =	vshll.u32 v31, $0x7;
	[tilespmem:v9+s18+$0x0] =	vst.idx.add.s32.msk $0xffff, v2  }
0x17b: {  	v18 =	vshll.u32 v18, $0x7;
	v26 =	vshll.u32 v26, $0x4;
	v9 =	vand.u32 $0xFFFFFC00, v34;
	[tilespmem:v6+s18+$0x0] =	vst.idx.add.s32.msk $0xffff, v2  }
0x17c: {  	v19 =	vshll.u32 v19, $0x7;
	v29 =	vshll.u32 v29, $0x4;
	v6 =	vshll.u32 v33, $0x7;
	[tilespmem:v5+s18+$0x0] =	vst.idx.add.s32.msk $0xffff, v2  }
0x17d: {  	v31 =	vshll.u32 v31, $0x4;
	v34 =	vshll.u32 v10, $0x7;
	v10 =	vand.u32 $0xFFFFFC00, v6;
	[tilespmem:v4+s18+$0x0] =	vst.idx.add.s32.msk $0xffff, v2  }
0x17e: {  	v35 =	vshll.u32 v8, $0x7;
	v36 =	vshll.u32 v11, $0x7;
	v33 =	vshll.u32 v33, $0x4;
	[tilespmem:v3+s18+$0x0] =	vst.idx.add.s32.msk $0xffff, v2  }
0x17f: {  	v28 =	vadd.s32 v28, v30;
	v30 =	vadd.s32 v16, v20;
	v22 =	vadd.s32 v22, v32  }
0x180: {  	v5 =	vadd.s32 v24, v12;
	v6 =	vadd.s32 v23, v7;
	v4 =	vadd.s32 v25, v9  }
0x181: {  	v7 =	vor.u32 v1, v17;
	v17 =	vand.u32 $0x380, v13;
	v3 =	vadd.s32 v27, v10  }
.Ltmp8:
0x182: {  	v12 =	vor.u32 v1, v15;
	v15 =	vand.u32 $0x380, v14;
	v9 =	vor.u32 v1, v21;
	(pc) =	sbr.rel @p0 .LBB2_19-.Ltmp8, $4  }
0x183: {  	v16 =	vand.u32 $0x380, v19;
	v21 =	vand.u32 $0x380, v18;
	v10 =	vor.u32 v1, v26  }
0x184: {  	v8 =	vor.u32 v1, v31;
	v13 =	vor.u32 v1, v29;
	v18 =	vand.u32 $0x380, v34  }
0x185: {  	v19 =	vand.u32 $0x380, v35;
	v14 =	vand.u32 $0x380, v36;
	v11 =	vor.u32 v1, v33  }
0x186: {  	s29 =	sadd.s32 $0x400, s29;
	v20 =	vor.u32 v17, v28;
	v17 =	vor.u32 v15, v30;
	v15 =	vor.u32 v21, v22  }
0x187: {  	v7 =	vand.u32 $0x7F, v7  }
0x188: {  	v12 =	vand.u32 $0x7F, v12;
	v7 =	vor.u32 v7, v20  }
0x189: {  	v9 =	vand.u32 $0x7F, v9;
	v12 =	vor.u32 v12, v17  }
0x18a: {  	v6 =	vor.u32 v16, v6;
	v10 =	vand.u32 $0x7F, v10;
	v9 =	vor.u32 v9, v15  }
0x18b: {  	v5 =	vor.u32 v18, v5;
	v13 =	vand.u32 $0x7F, v13;
	v6 =	vor.u32 v10, v6  }
0x18c: {  	v4 =	vor.u32 v19, v4;
	v8 =	vand.u32 $0x7F, v8;
	v5 =	vor.u32 v13, v5  }
0x18d: {  	v3 =	vor.u32 v14, v3;
	v63 =	vand.u32 $0x7F, v11;
	s24 =	sadd.s32 $0x1, s24;
	v4 =	vor.u32 v8, v4;
	[tilespmem:v7+s18+$0x0] =	vst.idx.add.s32.msk $0xffff, v2  }
0x18e: {  	v3 =	vor.u32 v63, v3;
	p0 =	sne.s32 s24, $0x8;
	[tilespmem:v12+s18+$0x0] =	vst.idx.add.s32.msk $0xffff, v2  }
.Ltmp9:
0x18f: {  	[tilespmem:v9+s18+$0x0] =	vst.idx.add.s32.msk $0xffff, v2;
	(pc) =	sbr.rel @p0 .LBB2_18-.Ltmp9, $4  }
0x190: {  	[tilespmem:v6+s18+$0x0] =	vst.idx.add.s32.msk $0xffff, v2  }
0x191: {  	[tilespmem:v5+s18+$0x0] =	vst.idx.add.s32.msk $0xffff, v2  }
0x192: {  	[tilespmem:v4+s18+$0x0] =	vst.idx.add.s32.msk $0xffff, v2  }
0x193: {  	s25 =	sadd.s32 $0x80, s25;
	s26 =	sadd.s32 $0x80, s26;
	s28 =	simm.s32 $0x0;
	[tilespmem:v3+s18+$0x0] =	vst.idx.add.s32.msk $0xffff, v2  }
0x194: {  	s24 =	simm.s32 $0x0  }
.LBB2_22:
0x195: {  	s0 =	sshrl.u32 s24, $0x3;
	s1 =	sshll.u32 s24, $0x7  }
0x196: {  	s0 =	smul.u32 $0x3000, s0;
	s13 =	sand.u32 $0x380, s1  }
0x197: {  	s17 =	simm.s32 $0x30;
	v3 =	vmov s13  }
0x198: {  	s25 =	sand.u32 $0xC00, s28;
	s29 =	simm.s32 $0x4;
	s0 =	sshra.s32 s0, $0x2  }
0x199: {  	s30 =	simm.s32 $0x20;
	s31 =	simm.s32 $0x0;
	s26 =	sadd.s32 $0x8000, s0  }
0x19a: {  	s16 =	simm.s32 $0x2;
	s0 =	sand.u32 $0x70, s17;
	s13 =	sadd.s32 s25, s26  }
0x19b: {  	s4 =	simm.s32 $0x70;
	s25 =	simm.s32 $0x10;
	s0 =	sadd.s32 s0, s13  }
0x19c: {  	s30 =	sand.u32 $0x60, s30;
	s31 =	sand.u32 $0x40, s31;
	s25 =	sand.u32 $0x50, s25;
	v5 =	vld.idx.msk [tilespmem:v3+s0+$0x0 ss:$0x1], $0xffff  }
0x19d: {  	s17 =	simm.s32 $0x3;
	s30 =	sadd.s32 s30, s13;
	s25 =	sadd.s32 s25, s13  }
0x19e: {  	s3 =	sadd.s32 s31, s13;
	s31 =	simm.s32 $0x200;
	s13 =	simm.s32 $0x1;
	v6 =	vld.idx.msk [tilespmem:v3+s25+$0x0 ss:$0x1], $0xffff  }
0x19f: {  	v8 =	vmov s17;
	s31 =	sand.u32 $0xC00, s31;
	v7 =	vld.idx.msk [tilespmem:v3+s3+$0x0 ss:$0x1], $0xffff;
	s0 =	sand.u32 $0x70, s4;
	s3 =	simm.s32 $0x50  }
0x1a0: {  	v9 =	vmov s28;
	v4 =	vmov s1;
	v8 =	vand.u32 $0x7F, v8;
	v13 =	vld.idx.msk [tilespmem:v3+s30+$0x0 ss:$0x1], $0xffff;
	s30 =	simm.s32 $0x60;
	s4 =	simm.s32 $0x40;
	s17 =	sadd.s32 s31, s26  }
0x1a1: {  	v9 =	vand.u32 $0x7C, v9;
	v8 =	vor.u32 v4, v8;
	s25 =	simm.s32 $0x8;
	v10 =	vmov s13;
	s1 =	sand.u32 $0x50, s3;
	s0 =	sadd.s32 s0, s17;
	(xrf0) =	vadd.scan.msk.s32 $0xffff, v5  }
0x1a2: {  	s30 =	sand.u32 $0x60, s30;
	v12 =	vbroadcast v8, $0x0;
	s1 =	sadd.s32 s1, s17;
	v11 =	vld.idx.msk [tilespmem:v3+s0+$0x0 ss:$0x1], $0xffff;
	v5 =	vand.u32 $0x7D, v10;
	v10 =	vmov s16;
	s16 =	sand.u32 $0x40, s4  }
0x1a3: {  	v8 =	vor.u32 v4, v9;
	s31 =	simm.s32 $0x6;
	s3 =	sadd.s32 s30, s17;
	v5 =	vor.u32 v4, v5;
	(xrf0) =	vadd.scan.msk.s32 $0xffff, v6;
	s13 =	sadd.s32 s16, s17;
	v6 =	vld.idx.msk [tilespmem:v3+s1+$0x0 ss:$0x1], $0xffff;
	v14 =	vand.u32 $0x7E, v10  }
0x1a4: {  	s30 =	simm.s32 $0x400;
	v9 =	vbroadcast v8, $0x0;
	s0 =	simm.s32 $0x5;
	s4 =	simm.s32 $0x7;
	v10 =	vbroadcast v5, $0x0;
	(xrf0) =	vadd.scan.msk.s32 $0xffff, v7;
	v5 =	vld.idx.msk [tilespmem:v3+s13+$0x0 ss:$0x1], $0xffff;
	v8 =	vor.u32 v4, v14  }
0x1a5: {  	s1 =	simm.s32 $0xC;
	s13 =	sand.u32 $0xC00, s30;
	v7 =	vld.idx.msk [tilespmem:v3+s3+$0x0 ss:$0x1], $0xffff;
	v14 =	vmov s4;
	(xrf0) =	vadd.scan.msk.s32 $0xffff, v13;
	v13 =	vmov s29;
	s29 =	simm.s32 $0xB0;
	v8 =	vbroadcast v8, $0x0  }
.LBB2_23:
0x1a6: {  	p0 =	slt.u32 s1, $0x10;
	s13 =	sadd.s32 s13, s26;
	s16 =	sand.u32 $0x70, s29  }
0x1a7: {  	v13 =	vand.u32 $0x7C, v13;
	v18 =	vand.u32 $0x7F, v14;
	v15, _, _ =	vpop (xrf0);
	s17 =	smov.u32 s25;
	s25 =	smov.u32 s1;
	s3 =	sadd.s32 $0xFFFFFFE0, s29  }
0x1a8: {  	s4 =	sadd.s32 $0xFFFFFFF0, s29;
	v16 =	vmov s0;
	s0 =	sadd.s32 $0xFFFFFFD0, s29;
	s16 =	sadd.s32 s16, s13;
	v17 =	vor.u32 v4, v18;
	(xrf0) =	vadd.scan.msk.s32 $0xffff, v11;
	[tilespmem:v12+s21+$0x0] =	vst.idx.msk vm0, v15  }
.Ltmp10:
0x1a9: {  	s3 =	sand.u32 $0x50, s3;
	s4 =	sand.u32 $0x60, s4;
	v15 =	vand.u32 $0x7D, v16;
	v16 =	vmov s31;
	v11 =	vld.idx.msk [tilespmem:v3+s16+$0x0 ss:$0x1], $0xffff;
	v12 =	vbroadcast v17, $0x0;
	v14, _, _ =	vpop (xrf0);
	(pc) =	sbr.rel @p0 .LBB2_23-.Ltmp10, $4  }
0x1aa: {  	s0 =	sand.u32 $0x40, s0;
	v13 =	vor.u32 v4, v13;
	s3 =	sadd.s32 s3, s13;
	s4 =	sadd.s32 s4, s13;
	v15 =	vor.u32 v4, v15;
	(xrf0) =	vadd.scan.msk.s32 $0xffff, v6;
	[tilespmem:v10+s21+$0x0] =	vst.idx.msk vm0, v14;
	v14, _, _ =	vpop (xrf0)  }
0x1ab: {  	s13 =	sadd.s32 s0, s13;
	s0 =	sadd.s32 $0x1, s17;
	v10 =	vbroadcast v15, $0x0;
	v15 =	vand.u32 $0x7E, v16;
	v6 =	vld.idx.msk [tilespmem:v3+s3+$0x0 ss:$0x1], $0xffff;
	(xrf0) =	vadd.scan.msk.s32 $0xffff, v5;
	[tilespmem:v9+s21+$0x0] =	vst.idx.msk vm0, v14;
	v14, _, _ =	vpop (xrf0)  }
0x1ac: {  	s30 =	sadd.s32 $0x200, s30;
	s31 =	sadd.s32 $0x2, s17;
	s3 =	sadd.s32 $0x3, s17;
	v9 =	vbroadcast v13, $0x0;
	v15 =	vor.u32 v4, v15;
	v5 =	vld.idx.msk [tilespmem:v3+s13+$0x0 ss:$0x1], $0xffff;
	(xrf0) =	vadd.scan.msk.s32 $0xffff, v7;
	[tilespmem:v8+s21+$0x0] =	vst.idx.msk vm0, v14  }
0x1ad: {  	s1 =	sadd.s32 $0x4, s1;
	s29 =	sadd.s32 $0x40, s29;
	v13 =	vmov s17;
	s13 =	sand.u32 $0xC00, s30;
	v14 =	vmov s3;
	v8 =	vbroadcast v15, $0x0;
	v7 =	vld.idx.msk [tilespmem:v3+s4+$0x0 ss:$0x1], $0xffff  }
0x1ae: {  	_ = 	snop  }
0x1af: {  	s1 =	sadd.s32 s13, s26;
	s3 =	sand.u32 $0x70, s29  }
0x1b0: {  	v14 =	vand.u32 $0x7F, v14;
	s4 =	sadd.s32 $0xFFFFFFE0, s29;
	v15 =	vmov s0;
	v13 =	vand.u32 $0x7C, v13;
	s26 =	sadd.s32 $0xFFFFFFD0, s29;
	s30 =	sadd.s32 $0xFFFFFFF0, s29  }
0x1b1: {  	v45 =	vmov s31;
	s29 =	sadd.s32 $0x3, s25;
	v53 =	vmov s25;
	s17 =	sadd.s32 s3, s1;
	v14 =	vor.u32 v4, v14;
	s4 =	sand.u32 $0x50, s4  }
0x1b2: {  	v16, _, _ =	vpop (xrf0);
	(xrf0) =	vadd.scan.msk.s32 $0xffff, v11;
	s31 =	sadd.s32 $0x2, s25;
	v43 =	vand.u32 $0x7D, v15;
	s16 =	sand.u32 $0x40, s26;
	v13 =	vor.u32 v4, v13;
	v15 =	vand.u32 $0x7E, v45;
	v44 =	vld.idx.msk [tilespmem:v3+s17+$0x0 ss:$0x1], $0xffff;
	s17 =	sadd.s32 s4, s1  }
0x1b3: {  	[tilespmem:v12+s21+$0x0] =	vst.idx.msk vm0, v16;
	s26 =	sand.u32 $0x60, s30;
	v54 =	vmov s29;
	v59 =	vmov s31;
	v14 =	vbroadcast v14, $0x0;
	s0 =	sadd.s32 s16, s1;
	v48 =	vld.idx.msk [tilespmem:v3+s17+$0x0 ss:$0x1], $0xffff  }
0x1b4: {  	s30 =	sadd.s32 $0x1, s25;
	v46, _, _ =	vpop (xrf0);
	v11 =	vor.u32 v4, v43;
	(xrf0) =	vadd.scan.msk.s32 $0xffff, v6;
	s1 =	sadd.s32 s26, s1;
	v50 =	vbroadcast v13, $0x0;
	v52 =	vor.u32 v4, v15;
	v49 =	vld.idx.msk [tilespmem:v3+s0+$0x0 ss:$0x1], $0xffff  }
0x1b5: {  	v56 =	vand.u32 $0x7F, v54;
	v57 =	vmov s30;
	v47, _, _ =	vpop (xrf0);
	v11 =	vbroadcast v11, $0x0;
	(xrf0) =	vadd.scan.msk.s32 $0xffff, v5;
	v3 =	vld.idx.msk [tilespmem:v3+s1+$0x0 ss:$0x1], $0xffff  }
0x1b6: {  	v13 =	vand.u32 $0x7E, v59;
	[tilespmem:v10+s21+$0x0] =	vst.idx.msk vm0, v46;
	v55 =	vbroadcast v52, $0x0;
	v51, _, _ =	vpop (xrf0);
	(xrf0) =	vadd.scan.msk.s32 $0xffff, v7  }
0x1b7: {  	v58 =	vand.u32 $0x7D, v57;
	[tilespmem:v9+s21+$0x0] =	vst.idx.msk vm0, v47;
	v9 =	vor.u32 v4, v56;
	(xrf0) =	vadd.scan.msk.s32 $0xffff, v44  }
0x1b8: {  	v7 =	vand.u32 $0x7C, v53;
	v12 =	vor.u32 v4, v58;
	v9 =	vbroadcast v9, $0x0;
	(xrf0) =	vadd.scan.msk.s32 $0xffff, v48  }
0x1b9: {  	[tilespmem:v8+s21+$0x0] =	vst.idx.msk vm0, v51;
	v7 =	vor.u32 v4, v7;
	v12 =	vbroadcast v12, $0x0;
	v60, _, _ =	vpop (xrf0);
	(xrf0) =	vadd.scan.msk.s32 $0xffff, v49  }
0x1ba: {  	v62 =	vor.u32 v4, v13;
	v7 =	vbroadcast v7, $0x0;
	[tilespmem:v14+s21+$0x0] =	vst.idx.msk vm0, v60;
	v61, _, _ =	vpop (xrf0);
	(xrf0) =	vadd.scan.msk.s32 $0xffff, v3  }
0x1bb: {  	s24 =	sadd.s32 $0x1, s24;
	v4 =	vbroadcast v62, $0x0;
	[tilespmem:v11+s21+$0x0] =	vst.idx.msk vm0, v61;
	v3, _, _ =	vpop (xrf0)  }
0x1bc: {  	p0 =	sne.s32 s24, $0x14;
	v63, _, _ =	vpop (xrf0);
	[tilespmem:v50+s21+$0x0] =	vst.idx.msk vm0, v3  }
.Ltmp11:
0x1bd: {  	[tilespmem:v55+s21+$0x0] =	vst.idx.msk vm0, v63;
	v3, _, _ =	vpop (xrf0);
	(pc) =	sbr.rel @p0 .LBB2_22-.Ltmp11, $4  }
0x1be: {  	[tilespmem:v9+s21+$0x0] =	vst.idx.msk vm0, v3;
	v3, _, _ =	vpop (xrf0)  }
0x1bf: {  	[tilespmem:v12+s21+$0x0] =	vst.idx.msk vm0, v3;
	v3, _, _ =	vpop (xrf0)  }
0x1c0: {  	[tilespmem:v7+s21+$0x0] =	vst.idx.msk vm0, v3;
	v3, _, _ =	vpop (xrf0)  }
0x1c1: {  	[tilespmem:v4+s21+$0x0] =	vst.idx.msk vm0, v3  }
0x1c2: {  	s23 =	sadd.s32 $0x1, s23  }
0x1c3: {  	p0 =	sne.s32 s23, s12  }
.Ltmp12:
0x1c4: {  	_ = 	snop;
	(pc) =	sbr.rel @p0 .LBB2_1-.Ltmp12, $4  }
0x1c5: {  	[hbm4b:s11+s2] =	stream.linear.scatter [tilespmem:s21], [sflag:$0x5], $0xA00, $0x38;
	[tilespmem:$0xB000] =	vst v63  }
0x1c6: {  	_ =	swait.ge [sflag:s22], $0xA00  }
0x1c7: {  	s3 =	simm.s32 $0x4000;
	[sflag:s22] =	ssyncset.done $0x0  }
0x1c8: {  	s4 =	simm.s32 $0x2000;
	s16 =	simm.s32 $0x6000;
	[sflag:s22] =	ssyncadd.s32 $0xFFFFF600  }
0x1c9: {  	_ =	sfence.sel $0x180000  }
0x1ca: {  	[bflag:$0x0] =	sbarrier.arrive $0xFFFF  }
0x1cb: {  	_ =	strace $0x90000047  }
0x1cc: {  	s0 =	stileid.u32;
	[bflag:$0x2] =	sbarrier.arrive $0xFFFF  }
0x1cd: {  	p0 =	sne.s32 s0, $0x0;
	s0 =	rddreg [dreg:$0x3]  }
0x1ce: {  	s0 =	sadd.s32 @!p0 $0x100000, s0  }
0x1cf: {  	[sflag:s0] =	ssyncadd.tile.s32 @!p0 $0x1;
	_ =	shalt  }
.Lfunc_end2:
_tile_overlayer_lowered:
.L_overlay_start_2:
0x1d0: {  	(tag) =	ssettag $0x2  }
0x1d1: {  	s0 =	rddreg [dreg:$0x0];
	s2 =	stileid.u32  }
0x1d2: {  	s1 =	rddreg [dreg:$0x1];
	p0 =	sne.s32 s2, $0x0  }
0x1d3: {  	s3 =	rddreg [dreg:$0x2];
	[bflag:$0x3] =	sbarrier.arrive $0xFFFF;
	s2 =	simm.s32 @!p0 $0x1C05  }
0x1d4: {  	[timem:s3], [sflag:s2] =	dma.local @!p0 [hbm:s0], s1  }
0x1d5: {  	s0 =	simm.s32 @!p0 $0x5  }
0x1d6: {  	_ =	swait.ge @!p0 [sflag:s0], s1  }
0x1d7: {  	s1 =	ssub.s32 @!p0 $0x0, s1;
	[sflag:s0] =	ssyncset.done @!p0 $0x0  }
0x1d8: {  	[sflag:s0] =	ssyncadd.s32 @!p0 s1  }
0x1d9: {  	[bflag:$0x3] =	sbarrier.arrive $0xFFFF  }
0x1da: {  	_ =	shalt  }

</sc_bundles>
